<compile_context>
chip_gen: v7x
topology: tpu7x:2x2x1
jax: 0.10.2.dev20260603
libtpu: 0.0.44.dev20260713+nightly
codegen_flags: <defaults>
</compile_context>

<pallas_src>
import functools

import jax
import jax.numpy as jnp
from jax import lax
from jax.experimental import pallas as pl
from jax.experimental.pallas import tpu as pltpu
from jax.experimental.pallas import tpu_sc as plsc

BS, NMAX, Q, D, HID, OUT, EVD = 16, 64, 4, 16, 128, 64, 16
NN = BS * NMAX
NE = 16384
FEAT = NMAX * HID
NB = 4
BN = NN // NB
FB = 4
BF = FEAT // FB
ML = BF // HID
NW = 32
ROWS_W = NN // NW


def _build_adjacency(src, dst):
    mesh = plsc.VectorSubcoreMesh(core_axis_name="c", subcore_axis_name="s")

    @functools.partial(
        pl.kernel,
        mesh=mesh,
        compiler_params=pltpu.CompilerParams(needs_layout_passes=False,
                                             use_tc_tiling_on_sc=True),
        out_type=jax.ShapeDtypeStruct((NN * NN,), jnp.float32),
        scratch_types=[
            pltpu.VMEM((NE,), jnp.int32),
            pltpu.VMEM((NE,), jnp.int32),
            pltpu.VMEM((ROWS_W * NN,), jnp.float32),
        ],
    )
    def adj_kernel(src_hbm, dst_hbm, a_hbm, src_v, dst_v, blk):
        wid = lax.axis_index("c") * 16 + lax.axis_index("s")
        lo = wid * ROWS_W
        pltpu.sync_copy(src_hbm, src_v)
        pltpu.sync_copy(dst_hbm, dst_v)

        zero16 = jnp.zeros((16,), jnp.float32)

        def zbody(i, carry):
            for u in range(8):
                blk[pl.ds(i * 128 + u * 16, 16)] = zero16
            return carry

        lax.fori_loop(0, ROWS_W * NN // 128, zbody, 0)

        @plsc.parallel_loop(0, NE // 16, unroll=4)
        def _(i):
            s = src_v[pl.ds(i * 16, 16)]
            d = dst_v[pl.ds(i * 16, 16)]
            m = (d >= lo) & (d < lo + ROWS_W)
            flat = jnp.where(m, (d - lo) * NN + s, 0)
            cnt, lastm = plsc.scan_count(flat, m)
            plsc.addupdate_scatter(blk, [flat], cnt.astype(jnp.float32),
                                   mask=lastm)
        pltpu.sync_copy(blk, a_hbm.at[pl.ds(lo * NN, ROWS_W * NN)])

    return adj_kernel(src, dst)


def _gram_readout_body(ev_ref, x_ref, qmask, w1, b1, w2, b2, w3, b3,
                       rw1, rb1, rw2, rb2, out_ref):
    ev = ev_ref[0]
    h = jnp.maximum(ev * w1[...] + b1[...], 0.0)
    h = jnp.maximum(
        jnp.dot(h, w2[...], preferred_element_type=jnp.float32) + b2[...], 0.0)
    w = jnp.dot(h, w3[...], preferred_element_type=jnp.float32) + b3[...]
    wbd = jnp.tile(w, (1, Q)) * qmask[...]
    wfold = jnp.dot(wbd, rw1[...], preferred_element_type=jnp.float32)

    x = x_ref[0]
    pa = x[:, None, :] * x[None, :, :]
    pa = pa.reshape(NMAX * NMAX, Q * D).astype(jnp.bfloat16)
    hh = jnp.maximum(
        jnp.dot(pa, wfold.astype(jnp.bfloat16),
                preferred_element_type=jnp.float32) + rb1[...], 0.0)
    out = jnp.dot(hh.astype(jnp.bfloat16), rw2[...],
                  preferred_element_type=jnp.float32) + rb2[...]
    out_ref[0] = out.reshape(NMAX, NMAX, HID).astype(jnp.bfloat16)


def _gram_readout(eigenvals, eigenvecs_t, p):
    w1r = p['ro_W1'][:Q * EVD]
    qmask = (jnp.arange(Q * D)[:, None] // D ==
             jnp.arange(Q * EVD)[None, :] // EVD).astype(jnp.float32)
    full = lambda *s: pl.BlockSpec(s, lambda b: (0,) * len(s))
    return pl.pallas_call(
        _gram_readout_body,
        grid=(BS,),
        in_specs=[
            pl.BlockSpec((1, Q * D, 1), lambda b: (b, 0, 0)),
            pl.BlockSpec((1, NMAX, Q * D), lambda b: (b, 0, 0)),
            full(Q * D, Q * EVD),
            full(1, 32), full(1, 32),
            full(32, 32), full(1, 32),
            full(32, EVD), full(1, EVD),
            full(Q * EVD, Q * EVD), full(1, Q * EVD),
            full(Q * EVD, HID), full(1, HID),
        ],
        out_specs=pl.BlockSpec((1, NMAX, NMAX, HID), lambda b: (b, 0, 0, 0)),
        out_shape=jax.ShapeDtypeStruct((BS, NMAX, NMAX, HID), jnp.bfloat16),
    )(eigenvals.reshape(BS, Q * D, 1), eigenvecs_t, qmask,
      p['ev_W1'], p['ev_b1'].reshape(1, 32),
      p['ev_W2'], p['ev_b2'].reshape(1, 32),
      p['ev_W3'], p['ev_b3'].reshape(1, EVD),
      w1r, p['ro_b1'].reshape(1, Q * EVD),
      p['ro_W2'].astype(jnp.bfloat16), p['ro_b2'].reshape(1, HID))


def _gin_body(a_ref, x_ref, w1, b1, w2, b2, out_ref):
    i_nb = pl.program_id(1)
    xcol = x_ref[...]
    agg = jnp.dot(a_ref[...].reshape(BN, NN), xcol,
                  preferred_element_type=jnp.float32)
    xblk = x_ref[pl.ds(i_nb * BN, BN), :]
    s = (xblk.astype(jnp.float32) + agg).reshape(BN * ML, HID)
    hh = jnp.maximum(
        jnp.dot(s.astype(jnp.bfloat16), w1[...].astype(jnp.bfloat16),
                preferred_element_type=jnp.float32) + b1[...], 0.0)
    y = jnp.dot(hh.astype(jnp.bfloat16), w2[...].astype(jnp.bfloat16),
                preferred_element_type=jnp.float32) + b2[...]
    out_ref[...] = y.reshape(BN, BF).astype(jnp.bfloat16)


def _gin_layer(x, a, w1, b1, w2, b2):
    full = lambda *s: pl.BlockSpec(s, lambda f, n: (0,) * len(s))
    return pl.pallas_call(
        _gin_body,
        grid=(FB, NB),
        in_specs=[
            pl.BlockSpec((BN * NN,), lambda f, n: (n,)),
            pl.BlockSpec((NN, BF), lambda f, n: (0, f)),
            full(HID, HID), full(1, HID), full(HID, HID), full(1, HID),
        ],
        out_specs=pl.BlockSpec((BN, BF), lambda f, n: (n, f)),
        out_shape=jax.ShapeDtypeStruct((NN, FEAT), jnp.bfloat16),
    )(a, x, w1, b1.reshape(1, HID), w2, b2.reshape(1, HID))


def _gin_last_body(a_ref, x_ref, w1, b1, out_ref):
    i_nb = pl.program_id(1)
    xcol = x_ref[...]
    agg = jnp.dot(a_ref[...].reshape(BN, NN), xcol,
                  preferred_element_type=jnp.float32)
    xblk = x_ref[pl.ds(i_nb * BN, BN), :]
    s = (xblk.astype(jnp.float32) + agg).reshape(BN * ML, HID)
    hh = jnp.maximum(
        jnp.dot(s.astype(jnp.bfloat16), w1[...].astype(jnp.bfloat16),
                preferred_element_type=jnp.float32) + b1[...], 0.0)
    out_ref[0] = hh.reshape(BN, ML, HID).sum(axis=1)


def _gin_last(x, a, w1, b1):
    full = lambda *s: pl.BlockSpec(s, lambda f, n: (0,) * len(s))
    return pl.pallas_call(
        _gin_last_body,
        grid=(FB, NB),
        in_specs=[
            pl.BlockSpec((BN * NN,), lambda f, n: (n,)),
            pl.BlockSpec((NN, BF), lambda f, n: (0, f)),
            full(HID, HID), full(1, HID),
        ],
        out_specs=pl.BlockSpec((1, BN, HID), lambda f, n: (f, n, 0)),
        out_shape=jax.ShapeDtypeStruct((FB, NN, HID), jnp.float32),
    )(a, x, w1, b1.reshape(1, HID))


def _final_body(p_ref, w2, b2, pw, pb, out_ref):
    tot = p_ref[...].sum(axis=0)
    wp = jnp.dot(w2[...], pw[...], preferred_element_type=jnp.float32)
    bp = float(NMAX) * jnp.dot(b2[...], pw[...],
                               preferred_element_type=jnp.float32) + pb[...]
    y = jnp.dot(tot, wp, preferred_element_type=jnp.float32) + bp
    out_ref[...] = y * 0.5 * (1.0 + lax.erf(y * (2.0 ** -0.5)))


def _final(partials, w2, b2, pw, pb):
    full = lambda *s: pl.BlockSpec(s, lambda n: (0,) * len(s))
    return pl.pallas_call(
        _final_body,
        grid=(NB,),
        in_specs=[
            pl.BlockSpec((FB, BN, HID), lambda n: (0, n, 0)),
            full(HID, HID), full(1, HID), full(HID, OUT), full(1, OUT),
        ],
        out_specs=pl.BlockSpec((BN, OUT), lambda n: (n, 0)),
        out_shape=jax.ShapeDtypeStruct((NN, OUT), jnp.float32),
    )(partials, w2, b2.reshape(1, HID), pw, pb.reshape(1, OUT))


def kernel(eigenvals, eigenvecs, mask, edge_index, batch, params):
    p = params
    a = _build_adjacency(edge_index[0], edge_index[1])
    a = a.astype(jnp.bfloat16)
    evt = eigenvecs.reshape(BS, NMAX, Q * D)
    x0 = _gram_readout(eigenvals, evt, p).reshape(NN, FEAT)

    (w1a, b1a, w2a, b2a) = p['gin'][0]
    (w1b, b1b, w2b, b2b) = p['gin'][1]
    (w1c, b1c, w2c, b2c) = p['gin'][2]
    x1 = _gin_layer(x0, a, w1a, b1a, w2a, b2a)
    x2 = _gin_layer(x1, a, w1b, b1b, w2b, b2b)
    partials = _gin_last(x2, a, w1c, b1c)
    out = _final(partials, w2c, b2c, p['pj_W'], p['pj_b'])
    return out.reshape(BS, NMAX, OUT)

# --- scband reference (transcript-rebuilt; emitter-appended) ---
"""Pipeline reference for scband-spenodes-47158740910667 (READ-ONLY COPY).

The authoritative reference and input builder live on the scoring server;
editing this copy changes nothing except your own understanding.
"""

import jax, jax.numpy as jnp
import numpy as np

BS, NMAX, Q, D, HID, OUT, NUM_LAYERS, EVD = 16, 64, 4, 16, 128, 64, 3, 16
NNODES = BS * NMAX
NEDGES = 16384

def _init_lin(key, fi, fo):
    k1, k2 = jax.random.split(key)
    s = 1.0 / np.sqrt(fi)
    W = jax.random.uniform(k1, (fi, fo), jnp.float32, -s, s)
    b = jax.random.uniform(k2, (fo,), jnp.float32, -s, s)
    return W, b

def setup_inputs(seed: int = 0):
    key = jax.random.key(seed)
    ks = jax.random.split(key, 16)
    eigenvals = jax.random.normal(ks[0], (BS, Q, D), dtype=jnp.float32)
    eigenvecs = jax.random.normal(ks[1], (BS, NMAX, Q, D), dtype=jnp.float32)
    mask = jnp.ones((BS, NMAX), dtype=bool)
    edge_index = jax.random.randint(ks[2], (2, NEDGES), 0, NNODES, dtype=jnp.int32)
    batch = jnp.sort(jax.random.randint(ks[3], (NNODES,), 0, BS, dtype=jnp.int32))
    params = {}
    params['ev_W1'], params['ev_b1'] = _init_lin(ks[4], 1, 32)
    params['ev_W2'], params['ev_b2'] = _init_lin(ks[5], 32, 32)
    params['ev_W3'], params['ev_b3'] = _init_lin(ks[6], 32, EVD)
    params['ro_W1'], params['ro_b1'] = _init_lin(ks[7], 2 * Q * EVD, Q * EVD)
    params['ro_W2'], params['ro_b2'] = _init_lin(ks[8], Q * EVD, HID)
    gin = []
    for i in range(NUM_LAYERS):
        W1, b1 = _init_lin(ks[9 + i], HID, HID)
        W2, b2 = _init_lin(ks[12 + i], HID, HID)
        gin.append((W1, b1, W2, b2))
    params['gin'] = gin
    params['pj_W'], params['pj_b'] = _init_lin(ks[15], HID, OUT)
    return {'eigenvals': eigenvals, 'eigenvecs': eigenvecs, 'mask': mask, 'edge_index': edge_index, 'batch': batch, 'params': params}

def _forward(eigenvals, eigenvecs, params, mask, edge_index, batch):
    p = params
    # eigval encoder: MLP(1 -> 32 -> 32 -> 16)
    ev = eigenvals[..., None]
    h = jnp.maximum(ev @ p['ev_W1'] + p['ev_b1'], 0)
    h = jnp.maximum(h @ p['ev_W2'] + p['ev_b2'], 0)
    w = h @ p['ev_W3'] + p['ev_b3']  # [BS, Q, D, EVD]
    # weighted gram matrix (complex, faithful to torch)
    xc = eigenvecs.astype(jnp.complex64)
    wc = w.astype(jnp.complex64)
    gram = jnp.einsum('bnqd,bmqd,bqdc->bnmqc', xc, jnp.conj(xc), wc)
    bs, n = gram.shape[0], gram.shape[1]
    gram = gram.reshape(bs, n, n, -1)
    g = jnp.concatenate([jnp.real(gram), jnp.imag(gram)], axis=-1)  # [bs,n,n,2*Q*EVD]
    # readout MLP (2*Q*EVD -> Q*EVD -> HID)
    h = jnp.maximum(g @ p['ro_W1'] + p['ro_b1'], 0)
    h = h @ p['ro_W2'] + p['ro_b2']  # [bs, n, n, HID]
    idx = jnp.nonzero(mask.reshape(-1), size=mask.size)[0]
    x = h.reshape(bs * n, n, -1)[idx]  # [N, n, HID]
    # GIN layers (eps=0): mlp(x + sum_neighbors x_j)
    src, dst = edge_index[0], edge_index[1]
    for (W1, b1, W2, b2) in p['gin']:
        agg = jnp.zeros_like(x).at[dst].add(x[src])
        hh = jnp.maximum((x + agg) @ W1 + b1, 0)
        x = hh @ W2 + b2
    node_mask = mask[batch].astype(x.dtype)[..., None]  # [N, n, 1]
    x = (x * node_mask).sum(axis=1)  # [N, HID]
    x = x @ p['pj_W'] + p['pj_b']
    x = jax.nn.gelu(x, approximate=False)
    out_dim = x.shape[-1]
    x_final = jnp.zeros((bs * n, out_dim), dtype=x.dtype).at[idx].set(x)
    return x_final.reshape(bs, n, out_dim)

def reference(eigenvals, eigenvecs, mask, edge_index, batch, params):
    return _forward(eigenvals, eigenvecs, params, mask, edge_index, batch)

if __name__ == "__main__":
    import jax
    _d = setup_inputs()
    print(jax.jit(kernel)(*tuple(_d.values())))

</pallas_src>

<mosaic_0001>
#map = affine_map<(d0, d1) -> (0)>
module attributes {stable_mosaic.version = 14 : i64} {
  func.func @adj_kernel(%arg0: i32, %arg1: i32, %arg2: memref<16384xi32, #tpu.memory_space<hbm>>, %arg3: memref<16384xi32, #tpu.memory_space<hbm>>, %arg4: memref<1048576xf32, #tpu.memory_space<hbm>>, %arg5: memref<16384xi32, #tpu.memory_space<vmem>>, %arg6: memref<16384xi32, #tpu.memory_space<vmem>>, %arg7: memref<32768xf32, #tpu.memory_space<vmem>>) attributes {dimension_semantics = [#tpu.dimension_semantics<core_parallel>, #tpu.dimension_semantics<subcore_parallel>], iteration_bounds = array<i64: 2, 16>, scalar_prefetch = 0 : i64, scratch_operands = 3 : i64, tpu.core_type = #tpu.core_type<sc_vector_subcore>, window_params = [{transform_indices = #map}, {transform_indices = #map}, {transform_indices = #map}]} {
    %mul3A = arith.constant 16 : i32
    %mul3A_0 = arith.muli %arg0, %mul3A : i32
    %add3A = arith.addi %mul3A_0, %arg1 : i32
    %mul3A_1 = arith.constant 32 : i32
    %mul3A_2 = arith.muli %add3A, %mul3A_1 : i32
    "tpu.region"() ({
      %run_scoped3A = tpu.sem_alloc : memref<!tpu.dma_semaphore, #tpu.memory_space<semaphore_mem>>
      tpu.enqueue_dma source(%arg2 : memref<16384xi32, #tpu.memory_space<hbm>>) target(%arg5 : memref<16384xi32, #tpu.memory_space<vmem>>) target_semaphore(%run_scoped3A : memref<!tpu.dma_semaphore, #tpu.memory_space<semaphore_mem>>)
      tpu.wait_dma2 semaphore(%run_scoped3A : memref<!tpu.dma_semaphore, #tpu.memory_space<semaphore_mem>>) src(%arg2 : memref<16384xi32, #tpu.memory_space<hbm>>) dst(%arg5 : memref<16384xi32, #tpu.memory_space<vmem>>)
      tpu.yield
    }) : () -> ()
    "tpu.region"() ({
      %run_scoped3A = tpu.sem_alloc : memref<!tpu.dma_semaphore, #tpu.memory_space<semaphore_mem>>
      tpu.enqueue_dma source(%arg3 : memref<16384xi32, #tpu.memory_space<hbm>>) target(%arg6 : memref<16384xi32, #tpu.memory_space<vmem>>) target_semaphore(%run_scoped3A : memref<!tpu.dma_semaphore, #tpu.memory_space<semaphore_mem>>)
      tpu.wait_dma2 semaphore(%run_scoped3A : memref<!tpu.dma_semaphore, #tpu.memory_space<semaphore_mem>>) src(%arg3 : memref<16384xi32, #tpu.memory_space<hbm>>) dst(%arg6 : memref<16384xi32, #tpu.memory_space<vmem>>)
      tpu.yield
    }) : () -> ()
    %broadcast_in_dim3A = arith.constant 0.000000e+00 : f32
    %broadcast_in_dim3A_3 = vector.broadcast %broadcast_in_dim3A : f32 to vector<16xf32>
    %scan3A = arith.constant 0 : i32
    %scan3A_4 = arith.constant 0 : i32
    %scan3A_5 = arith.constant 256 : i32
    %scan3A_6 = arith.addi %scan3A_4, %scan3A_5 : i32
    %scan3A_7 = arith.constant 1 : i32
    scf.for %scan3A_13 = %scan3A_4 to %scan3A_6 step %scan3A_7  : i32 {
      %mul3A_14 = arith.constant 128 : i32
      %mul3A_15 = arith.muli %scan3A_13, %mul3A_14 : i32
      %add3A_16 = arith.constant 0 : i32
      %add3A_17 = arith.addi %mul3A_15, %add3A_16 : i32
      %swap3A = arith.index_cast %add3A_17 : i32 to index
      %swap3A_18 = tpu.vector_load %arg7[%swap3A] {strides = array<i32>} : memref<32768xf32, #tpu.memory_space<vmem>>, vector<16xf32>,
      tpu.vector_store %arg7[%swap3A], %broadcast_in_dim3A_3 {strides = array<i32>} : memref<32768xf32, #tpu.memory_space<vmem>>, vector<16xf32>,
      %mul3A_19 = arith.constant 128 : i32
      %mul3A_20 = arith.muli %scan3A_13, %mul3A_19 : i32
      %add3A_21 = arith.constant 16 : i32
      %add3A_22 = arith.addi %mul3A_20, %add3A_21 : i32
      %swap3A_23 = arith.index_cast %add3A_22 : i32 to index
      %swap3A_24 = tpu.vector_load %arg7[%swap3A_23] {strides = array<i32>} : memref<32768xf32, #tpu.memory_space<vmem>>, vector<16xf32>,
      tpu.vector_store %arg7[%swap3A_23], %broadcast_in_dim3A_3 {strides = array<i32>} : memref<32768xf32, #tpu.memory_space<vmem>>, vector<16xf32>,
      %mul3A_25 = arith.constant 128 : i32
      %mul3A_26 = arith.muli %scan3A_13, %mul3A_25 : i32
      %add3A_27 = arith.constant 32 : i32
      %add3A_28 = arith.addi %mul3A_26, %add3A_27 : i32
      %swap3A_29 = arith.index_cast %add3A_28 : i32 to index
      %swap3A_30 = tpu.vector_load %arg7[%swap3A_29] {strides = array<i32>} : memref<32768xf32, #tpu.memory_space<vmem>>, vector<16xf32>,
      tpu.vector_store %arg7[%swap3A_29], %broadcast_in_dim3A_3 {strides = array<i32>} : memref<32768xf32, #tpu.memory_space<vmem>>, vector<16xf32>,
      %mul3A_31 = arith.constant 128 : i32
      %mul3A_32 = arith.muli %scan3A_13, %mul3A_31 : i32
      %add3A_33 = arith.constant 48 : i32
      %add3A_34 = arith.addi %mul3A_32, %add3A_33 : i32
      %swap3A_35 = arith.index_cast %add3A_34 : i32 to index
      %swap3A_36 = tpu.vector_load %arg7[%swap3A_35] {strides = array<i32>} : memref<32768xf32, #tpu.memory_space<vmem>>, vector<16xf32>,
      tpu.vector_store %arg7[%swap3A_35], %broadcast_in_dim3A_3 {strides = array<i32>} : memref<32768xf32, #tpu.memory_space<vmem>>, vector<16xf32>,
      %mul3A_37 = arith.constant 128 : i32
      %mul3A_38 = arith.muli %scan3A_13, %mul3A_37 : i32
      %add3A_39 = arith.constant 64 : i32
      %add3A_40 = arith.addi %mul3A_38, %add3A_39 : i32
      %swap3A_41 = arith.index_cast %add3A_40 : i32 to index
      %swap3A_42 = tpu.vector_load %arg7[%swap3A_41] {strides = array<i32>} : memref<32768xf32, #tpu.memory_space<vmem>>, vector<16xf32>,
      tpu.vector_store %arg7[%swap3A_41], %broadcast_in_dim3A_3 {strides = array<i32>} : memref<32768xf32, #tpu.memory_space<vmem>>, vector<16xf32>,
      %mul3A_43 = arith.constant 128 : i32
      %mul3A_44 = arith.muli %scan3A_13, %mul3A_43 : i32
      %add3A_45 = arith.constant 80 : i32
      %add3A_46 = arith.addi %mul3A_44, %add3A_45 : i32
      %swap3A_47 = arith.index_cast %add3A_46 : i32 to index
      %swap3A_48 = tpu.vector_load %arg7[%swap3A_47] {strides = array<i32>} : memref<32768xf32, #tpu.memory_space<vmem>>, vector<16xf32>,
      tpu.vector_store %arg7[%swap3A_47], %broadcast_in_dim3A_3 {strides = array<i32>} : memref<32768xf32, #tpu.memory_space<vmem>>, vector<16xf32>,
      %mul3A_49 = arith.constant 128 : i32
      %mul3A_50 = arith.muli %scan3A_13, %mul3A_49 : i32
      %add3A_51 = arith.constant 96 : i32
      %add3A_52 = arith.addi %mul3A_50, %add3A_51 : i32
      %swap3A_53 = arith.index_cast %add3A_52 : i32 to index
      %swap3A_54 = tpu.vector_load %arg7[%swap3A_53] {strides = array<i32>} : memref<32768xf32, #tpu.memory_space<vmem>>, vector<16xf32>,
      tpu.vector_store %arg7[%swap3A_53], %broadcast_in_dim3A_3 {strides = array<i32>} : memref<32768xf32, #tpu.memory_space<vmem>>, vector<16xf32>,
      %mul3A_55 = arith.constant 128 : i32
      %mul3A_56 = arith.muli %scan3A_13, %mul3A_55 : i32
      %add3A_57 = arith.constant 112 : i32
      %add3A_58 = arith.addi %mul3A_56, %add3A_57 : i32
      %swap3A_59 = arith.index_cast %add3A_58 : i32 to index
      %swap3A_60 = tpu.vector_load %arg7[%swap3A_59] {strides = array<i32>} : memref<32768xf32, #tpu.memory_space<vmem>>, vector<16xf32>,
      tpu.vector_store %arg7[%swap3A_59], %broadcast_in_dim3A_3 {strides = array<i32>} : memref<32768xf32, #tpu.memory_space<vmem>>, vector<16xf32>,
    }
    %scan3A_8 = arith.constant 256 : i32
    %parallel_loop3A = arith.constant 0 : i32
    %parallel_loop3A_9 = arith.constant 1024 : i32
    %parallel_loop3A_10 = arith.constant 1 : i32
    scf.for %parallel_loop3A_13 = %parallel_loop3A to %parallel_loop3A_9 step %parallel_loop3A_10  : i32 {
      %parallel_loop3A_14 = arith.constant 16 : i32
      %parallel_loop3A_15 = arith.muli %parallel_loop3A_13, %parallel_loop3A_14 : i32
      %parallel_loop3A_16 = arith.index_cast %parallel_loop3A_15 : i32 to index
      %parallel_loop3A_17 = tpu.vector_load %arg5[%parallel_loop3A_16] {strides = array<i32>} : memref<16384xi32, #tpu.memory_space<vmem>>, vector<16xi32>,
      %parallel_loop3A_18 = arith.constant 16 : i32
      %parallel_loop3A_19 = arith.muli %parallel_loop3A_13, %parallel_loop3A_18 : i32
      %parallel_loop3A_20 = arith.index_cast %parallel_loop3A_19 : i32 to index
      %parallel_loop3A_21 = tpu.vector_load %arg6[%parallel_loop3A_20] {strides = array<i32>} : memref<16384xi32, #tpu.memory_space<vmem>>, vector<16xi32>,
      %parallel_loop3A_22 = vector.broadcast %mul3A_2 : i32 to vector<16xi32>
      %parallel_loop3A_23 = arith.cmpi sge, %parallel_loop3A_21, %parallel_loop3A_22 : vector<16xi32>
      %parallel_loop3A_24 = arith.constant 32 : i32
      %parallel_loop3A_25 = arith.addi %mul3A_2, %parallel_loop3A_24 : i32
      %parallel_loop3A_26 = vector.broadcast %parallel_loop3A_25 : i32 to vector<16xi32>
      %parallel_loop3A_27 = arith.cmpi slt, %parallel_loop3A_21, %parallel_loop3A_26 : vector<16xi32>
      %parallel_loop3A_28 = arith.andi %parallel_loop3A_23, %parallel_loop3A_27 : vector<16xi1>
      %parallel_loop3A_29 = vector.broadcast %mul3A_2 : i32 to vector<16xi32>
      %parallel_loop3A_30 = arith.subi %parallel_loop3A_21, %parallel_loop3A_29 : vector<16xi32>
      %parallel_loop3A_31 = arith.constant 1024 : i32
      %parallel_loop3A_32 = vector.broadcast %parallel_loop3A_31 : i32 to vector<16xi32>
      %parallel_loop3A_33 = arith.muli %parallel_loop3A_30, %parallel_loop3A_32 : vector<16xi32>
      %parallel_loop3A_34 = arith.addi %parallel_loop3A_33, %parallel_loop3A_17 : vector<16xi32>
      %parallel_loop3A_35 = arith.constant 0 : i32
      %parallel_loop3A_36 = vector.broadcast %parallel_loop3A_35 : i32 to vector<16xi32>
      %parallel_loop3A_37 = arith.select %parallel_loop3A_28, %parallel_loop3A_34, %parallel_loop3A_36 : vector<16xi1>, vector<16xi32>
      %parallel_loop3A_38, %parallel_loop3A_39 = tpu.scan_count mask(%parallel_loop3A_28 : vector<16xi1>) value(%parallel_loop3A_37 : vector<16xi32>) : vector<16xi1>, vector<16xi32>
      %parallel_loop3A_40 = arith.sitofp %parallel_loop3A_39 : vector<16xi32> to vector<16xf32>
      tpu.vector_store_idx %arg7[%parallel_loop3A_37], %parallel_loop3A_40 masked %parallel_loop3A_38 {add = true} : memref<32768xf32, #tpu.memory_space<vmem>>[vector<16xi32>], vector<16xf32>, vector<16xi1>
    } {sc.loop_unroll_factor = 4 : i64, sc.parallel_access}
    %mul3A_11 = arith.constant 1024 : i32
    %mul3A_12 = arith.muli %mul3A_2, %mul3A_11 : i32
    "tpu.region"() ({
      %run_scoped3A = tpu.sem_alloc : memref<!tpu.dma_semaphore, #tpu.memory_space<semaphore_mem>>
      %dma_start3A = tpu.memref_slice %arg4[%mul3A_12] : memref<1048576xf32, #tpu.memory_space<hbm>> -> memref<32768xf32, #tpu.memory_space<hbm>>
      %dma_start3A_13 = tpu.memref_slice %arg4[%mul3A_12] : memref<1048576xf32, #tpu.memory_space<hbm>> -> memref<32768xf32, #tpu.memory_space<hbm>>
      tpu.enqueue_dma source(%arg7 : memref<32768xf32, #tpu.memory_space<vmem>>) target(%dma_start3A_13 : memref<32768xf32, #tpu.memory_space<hbm>>) target_semaphore(%run_scoped3A : memref<!tpu.dma_semaphore, #tpu.memory_space<semaphore_mem>>)
      %dma_wait3A = tpu.memref_slice %arg4[%mul3A_12] : memref<1048576xf32, #tpu.memory_space<hbm>> -> memref<32768xf32, #tpu.memory_space<hbm>>
      %dma_wait3A_14 = tpu.memref_slice %arg4[%mul3A_12] : memref<1048576xf32, #tpu.memory_space<hbm>> -> memref<32768xf32, #tpu.memory_space<hbm>>
      tpu.wait_dma2 semaphore(%run_scoped3A : memref<!tpu.dma_semaphore, #tpu.memory_space<semaphore_mem>>) src(%arg7 : memref<32768xf32, #tpu.memory_space<vmem>>) dst(%dma_wait3A_14 : memref<32768xf32, #tpu.memory_space<hbm>>)
      tpu.yield
    }) : () -> ()
    return
  }
}

module attributes {stable_mosaic.version = 14 : i64} {
  func.func @_gram_readout_body(%arg0: i32, %arg1: memref<1x64x1xf32, #tpu.memory_space<vmem>>, %arg2: memref<1x64x64xf32, #tpu.memory_space<vmem>>, %arg3: memref<64x64xf32, #tpu.memory_space<vmem>>, %arg4: memref<1x32xf32, #tpu.memory_space<vmem>>, %arg5: memref<1x32xf32, #tpu.memory_space<vmem>>, %arg6: memref<32x32xf32, #tpu.memory_space<vmem>>, %arg7: memref<1x32xf32, #tpu.memory_space<vmem>>, %arg8: memref<32x16xf32, #tpu.memory_space<vmem>>, %arg9: memref<1x16xf32, #tpu.memory_space<vmem>>, %arg10: memref<64x64xf32, #tpu.memory_space<vmem>>, %arg11: memref<1x64xf32, #tpu.memory_space<vmem>>, %arg12: memref<64x128xbf16, #tpu.memory_space<vmem>>, %arg13: memref<1x128xf32, #tpu.memory_space<vmem>>, %arg14: memref<1x64x64x128xbf16, #tpu.memory_space<vmem>>) attributes {dimension_semantics = [#tpu.dimension_semantics<arbitrary>], iteration_bounds = array<i64: 16>, scalar_prefetch = 0 : i64, scratch_operands = 0 : i64, tpu.core_type = #tpu.core_type<tc>, window_params = [{transform_indices = @transform_0, window_bounds = array<i64: 1, 64, 1>}, {transform_indices = @transform_1, window_bounds = array<i64: 1, 64, 64>}, {pipeline_mode = #tpu.pipeline_mode<synchronous>, transform_indices = @transform_2, window_bounds = array<i64: 64, 64>}, {pipeline_mode = #tpu.pipeline_mode<synchronous>, transform_indices = @transform_3, window_bounds = array<i64: 1, 32>}, {pipeline_mode = #tpu.pipeline_mode<synchronous>, transform_indices = @transform_4, window_bounds = array<i64: 1, 32>}, {pipeline_mode = #tpu.pipeline_mode<synchronous>, transform_indices = @transform_5, window_bounds = array<i64: 32, 32>}, {pipeline_mode = #tpu.pipeline_mode<synchronous>, transform_indices = @transform_6, window_bounds = array<i64: 1, 32>}, {pipeline_mode = #tpu.pipeline_mode<synchronous>, transform_indices = @transform_7, window_bounds = array<i64: 32, 16>}, {pipeline_mode = #tpu.pipeline_mode<synchronous>, transform_indices = @transform_8, window_bounds = array<i64: 1, 16>}, {pipeline_mode = #tpu.pipeline_mode<synchronous>, transform_indices = @transform_9, window_bounds = array<i64: 64, 64>}, {pipeline_mode = #tpu.pipeline_mode<synchronous>, transform_indices = @transform_10, window_bounds = array<i64: 1, 64>}, {pipeline_mode = #tpu.pipeline_mode<synchronous>, transform_indices = @transform_11, window_bounds = array<i64: 64, 128>}, {pipeline_mode = #tpu.pipeline_mode<synchronous>, transform_indices = @transform_12, window_bounds = array<i64: 1, 128>}, {transform_indices = @transform_13, window_bounds = array<i64: 1, 64, 64, 128>}]} {
    %get3A = arith.constant 0 : index
    %get3A_0 = arith.constant 0 : index
    %get3A_1 = arith.constant 0 : index
    %get3A_2 = vector.load %arg1[%get3A, %get3A_0, %get3A_1] : memref<1x64x1xf32, #tpu.memory_space<vmem>>, vector<1x64x1xf32>
    %get3A_3 = vector.shape_cast %get3A_2 : vector<1x64x1xf32> to vector<64x1xf32>
    %get3A_4 = arith.constant 0 : index
    %get3A_5 = arith.constant 0 : index
    %get3A_6 = vector.load %arg4[%get3A_4, %get3A_5] : memref<1x32xf32, #tpu.memory_space<vmem>>, vector<1x32xf32>
    %mul3A = vector.broadcast %get3A_3 : vector<64x1xf32> to vector<64x32xf32>
    %mul3A_7 = vector.broadcast %get3A_6 : vector<1x32xf32> to vector<64x32xf32>
    %mul3A_8 = arith.mulf %mul3A, %mul3A_7 : vector<64x32xf32>
    %get3A_9 = arith.constant 0 : index
    %get3A_10 = arith.constant 0 : index
    %get3A_11 = vector.load %arg5[%get3A_9, %get3A_10] : memref<1x32xf32, #tpu.memory_space<vmem>>, vector<1x32xf32>
    %add3A = vector.broadcast %get3A_11 : vector<1x32xf32> to vector<64x32xf32>
    %add3A_12 = arith.addf %mul3A_8, %add3A : vector<64x32xf32>
    %max3A = arith.constant 0.000000e+00 : f32
    %max3A_13 = vector.broadcast %max3A : f32 to vector<64x32xf32>
    %max3A_14 = arith.maximumf %add3A_12, %max3A_13 : vector<64x32xf32>
    %get3A_15 = arith.constant 0 : index
    %get3A_16 = arith.constant 0 : index
    %get3A_17 = vector.load %arg6[%get3A_15, %get3A_16] : memref<32x32xf32, #tpu.memory_space<vmem>>, vector<32x32xf32>
    %dot_general3A = arith.constant dense<0.000000e+00> : vector<64x32xf32>
    %dot_general3A_18 = tpu.matmul %max3A_14, %get3A_17, %dot_general3A {dimension_numbers = #tpu.dot_dimension_numbers<[1], [0], [0], [1], [0, 0, 1, 1], [], []>, transpose_lhs_hint = false} : vector<64x32xf32>, vector<32x32xf32>, vector<64x32xf32> -> vector<64x32xf32>
    %get3A_19 = arith.constant 0 : index
    %get3A_20 = arith.constant 0 : index
    %get3A_21 = vector.load %arg7[%get3A_19, %get3A_20] : memref<1x32xf32, #tpu.memory_space<vmem>>, vector<1x32xf32>
    %add3A_22 = vector.broadcast %get3A_21 : vector<1x32xf32> to vector<64x32xf32>
    %add3A_23 = arith.addf %dot_general3A_18, %add3A_22 : vector<64x32xf32>
    %max3A_24 = arith.constant 0.000000e+00 : f32
    %max3A_25 = vector.broadcast %max3A_24 : f32 to vector<64x32xf32>
    %max3A_26 = arith.maximumf %add3A_23, %max3A_25 : vector<64x32xf32>
    %get3A_27 = arith.constant 0 : index
    %get3A_28 = arith.constant 0 : index
    %get3A_29 = vector.load %arg8[%get3A_27, %get3A_28] : memref<32x16xf32, #tpu.memory_space<vmem>>, vector<32x16xf32>
    %dot_general3A_30 = arith.constant dense<0.000000e+00> : vector<64x16xf32>
    %dot_general3A_31 = tpu.matmul %max3A_26, %get3A_29, %dot_general3A_30 {dimension_numbers = #tpu.dot_dimension_numbers<[1], [0], [0], [1], [0, 0, 1, 1], [], []>, transpose_lhs_hint = false} : vector<64x32xf32>, vector<32x16xf32>, vector<64x16xf32> -> vector<64x16xf32>
    %get3A_32 = arith.constant 0 : index
    %get3A_33 = arith.constant 0 : index
    %get3A_34 = vector.load %arg9[%get3A_32, %get3A_33] : memref<1x16xf32, #tpu.memory_space<vmem>>, vector<1x16xf32>
    %add3A_35 = vector.broadcast %get3A_34 : vector<1x16xf32> to vector<64x16xf32>
    %add3A_36 = arith.addf %dot_general3A_31, %add3A_35 : vector<64x16xf32>
    %tile3A = tpu.concatenate %add3A_36, %add3A_36, %add3A_36, %add3A_36 in 1 : vector<64x16xf32>, vector<64x16xf32>, vector<64x16xf32>, vector<64x16xf32> -> vector<64x64xf32>
    %get3A_37 = arith.constant 0 : index
    %get3A_38 = arith.constant 0 : index
    %get3A_39 = vector.load %arg3[%get3A_37, %get3A_38] : memref<64x64xf32, #tpu.memory_space<vmem>>, vector<64x64xf32>
    %mul3A_40 = arith.mulf %tile3A, %get3A_39 : vector<64x64xf32>
    %get3A_41 = arith.constant 0 : index
    %get3A_42 = arith.constant 0 : index
    %get3A_43 = vector.load %arg10[%get3A_41, %get3A_42] : memref<64x64xf32, #tpu.memory_space<vmem>>, vector<64x64xf32>
    %dot_general3A_44 = arith.constant dense<0.000000e+00> : vector<64x64xf32>
    %dot_general3A_45 = tpu.matmul %mul3A_40, %get3A_43, %dot_general3A_44 {dimension_numbers = #tpu.dot_dimension_numbers<[1], [0], [0], [1], [0, 0, 1, 1], [], []>, transpose_lhs_hint = false} : vector<64x64xf32>, vector<64x64xf32>, vector<64x64xf32> -> vector<64x64xf32>
    %get3A_46 = arith.constant 0 : index
    %get3A_47 = arith.constant 0 : index
    %get3A_48 = arith.constant 0 : index
    %get3A_49 = vector.load %arg2[%get3A_46, %get3A_47, %get3A_48] : memref<1x64x64xf32, #tpu.memory_space<vmem>>, vector<1x64x64xf32>
    %get3A_50 = vector.shape_cast %get3A_49 : vector<1x64x64xf32> to vector<64x64xf32>
    %broadcast_in_dim3A = vector.shape_cast %get3A_50 : vector<64x64xf32> to vector<64x1x64xf32>
    %broadcast_in_dim3A_51 = vector.shape_cast %get3A_50 : vector<64x64xf32> to vector<1x64x64xf32>
    %mul3A_52 = vector.broadcast %broadcast_in_dim3A : vector<64x1x64xf32> to vector<64x64x64xf32>
    %mul3A_53 = vector.broadcast %broadcast_in_dim3A_51 : vector<1x64x64xf32> to vector<64x64x64xf32>
    %mul3A_54 = arith.mulf %mul3A_52, %mul3A_53 : vector<64x64x64xf32>
    %reshape3A = vector.shape_cast %mul3A_54 : vector<64x64x64xf32> to vector<4096x64xf32>
    %convert_element_type3A = arith.truncf %reshape3A : vector<4096x64xf32> to vector<4096x64xbf16>
    %convert_element_type3A_55 = arith.truncf %dot_general3A_45 : vector<64x64xf32> to vector<64x64xbf16>
    %dot_general3A_56 = arith.constant dense<0.000000e+00> : vector<4096x64xf32>
    %dot_general3A_57 = tpu.matmul %convert_element_type3A, %convert_element_type3A_55, %dot_general3A_56 {dimension_numbers = #tpu.dot_dimension_numbers<[1], [0], [0], [1], [0, 0, 1, 1], [], []>, transpose_lhs_hint = false} : vector<4096x64xbf16>, vector<64x64xbf16>, vector<4096x64xf32> -> vector<4096x64xf32>
    %get3A_58 = arith.constant 0 : index
    %get3A_59 = arith.constant 0 : index
    %get3A_60 = vector.load %arg11[%get3A_58, %get3A_59] : memref<1x64xf32, #tpu.memory_space<vmem>>, vector<1x64xf32>
    %add3A_61 = vector.broadcast %get3A_60 : vector<1x64xf32> to vector<4096x64xf32>
    %add3A_62 = arith.addf %dot_general3A_57, %add3A_61 : vector<4096x64xf32>
    %max3A_63 = arith.constant 0.000000e+00 : f32
    %max3A_64 = vector.broadcast %max3A_63 : f32 to vector<4096x64xf32>
    %max3A_65 = arith.maximumf %add3A_62, %max3A_64 : vector<4096x64xf32>
    %convert_element_type3A_66 = arith.truncf %max3A_65 : vector<4096x64xf32> to vector<4096x64xbf16>
    %get3A_67 = arith.constant 0 : index
    %get3A_68 = arith.constant 0 : index
    %get3A_69 = vector.load %arg12[%get3A_67, %get3A_68] : memref<64x128xbf16, #tpu.memory_space<vmem>>, vector<64x128xbf16>
    %dot_general3A_70 = arith.constant dense<0.000000e+00> : vector<4096x128xf32>
    %dot_general3A_71 = tpu.matmul %convert_element_type3A_66, %get3A_69, %dot_general3A_70 {dimension_numbers = #tpu.dot_dimension_numbers<[1], [0], [0], [1], [0, 0, 1, 1], [], []>, transpose_lhs_hint = false} : vector<4096x64xbf16>, vector<64x128xbf16>, vector<4096x128xf32> -> vector<4096x128xf32>
    %get3A_72 = arith.constant 0 : index
    %get3A_73 = arith.constant 0 : index
    %get3A_74 = vector.load %arg13[%get3A_72, %get3A_73] : memref<1x128xf32, #tpu.memory_space<vmem>>, vector<1x128xf32>
    %add3A_75 = vector.broadcast %get3A_74 : vector<1x128xf32> to vector<4096x128xf32>
    %add3A_76 = arith.addf %dot_general3A_71, %add3A_75 : vector<4096x128xf32>
    %reshape3A_77 = vector.shape_cast %add3A_76 : vector<4096x128xf32> to vector<64x64x128xf32>
    %convert_element_type3A_78 = arith.truncf %reshape3A_77 : vector<64x64x128xf32> to vector<64x64x128xbf16>
    %swap3A = arith.constant 0 : index
    %swap3A_79 = arith.constant 0 : index
    %swap3A_80 = arith.constant 0 : index
    %swap3A_81 = arith.constant 0 : index
    %swap3A_82 = vector.load %arg14[%swap3A, %swap3A_79, %swap3A_80, %swap3A_81] : memref<1x64x64x128xbf16, #tpu.memory_space<vmem>>, vector<1x64x64x128xbf16>
    %swap3A_83 = vector.shape_cast %swap3A_82 : vector<1x64x64x128xbf16> to vector<64x64x128xbf16>
    %swap3A_84 = vector.shape_cast %convert_element_type3A_78 : vector<64x64x128xbf16> to vector<1x64x64x128xbf16>
    tpu.vector_store %arg14[%swap3A, %swap3A_79, %swap3A_80, %swap3A_81], %swap3A_84 {strides = array<i32>} : memref<1x64x64x128xbf16, #tpu.memory_space<vmem>>, vector<1x64x64x128xbf16>,
    return
  }
  func.func @transform_0(%arg0: i32) -> (i32, i32, i32) {
    %c0_i32 = arith.constant 0 : i32
    %c0_i32_0 = arith.constant 0 : i32
    %c0_i32_1 = arith.constant 0 : i32
    return %arg0, %c0_i32, %c0_i32_0 : i32, i32, i32
  }
  func.func @transform_1(%arg0: i32) -> (i32, i32, i32) {
    %c0_i32 = arith.constant 0 : i32
    %c0_i32_0 = arith.constant 0 : i32
    %c0_i32_1 = arith.constant 0 : i32
    return %arg0, %c0_i32, %c0_i32_0 : i32, i32, i32
  }
  func.func @transform_2(%arg0: i32) -> (i32, i32) {
    %c0_i32 = arith.constant 0 : i32
    %c0_i32_0 = arith.constant 0 : i32
    %c0_i32_1 = arith.constant 0 : i32
    return %c0_i32, %c0_i32_0 : i32, i32
  }
  func.func @transform_3(%arg0: i32) -> (i32, i32) {
    %c0_i32 = arith.constant 0 : i32
    %c0_i32_0 = arith.constant 0 : i32
    %c0_i32_1 = arith.constant 0 : i32
    return %c0_i32, %c0_i32_0 : i32, i32
  }
  func.func @transform_4(%arg0: i32) -> (i32, i32) {
    %c0_i32 = arith.constant 0 : i32
    %c0_i32_0 = arith.constant 0 : i32
    %c0_i32_1 = arith.constant 0 : i32
    return %c0_i32, %c0_i32_0 : i32, i32
  }
  func.func @transform_5(%arg0: i32) -> (i32, i32) {
    %c0_i32 = arith.constant 0 : i32
    %c0_i32_0 = arith.constant 0 : i32
    %c0_i32_1 = arith.constant 0 : i32
    return %c0_i32, %c0_i32_0 : i32, i32
  }
  func.func @transform_6(%arg0: i32) -> (i32, i32) {
    %c0_i32 = arith.constant 0 : i32
    %c0_i32_0 = arith.constant 0 : i32
    %c0_i32_1 = arith.constant 0 : i32
    return %c0_i32, %c0_i32_0 : i32, i32
  }
  func.func @transform_7(%arg0: i32) -> (i32, i32) {
    %c0_i32 = arith.constant 0 : i32
    %c0_i32_0 = arith.constant 0 : i32
    %c0_i32_1 = arith.constant 0 : i32
    return %c0_i32, %c0_i32_0 : i32, i32
  }
  func.func @transform_8(%arg0: i32) -> (i32, i32) {
    %c0_i32 = arith.constant 0 : i32
    %c0_i32_0 = arith.constant 0 : i32
    %c0_i32_1 = arith.constant 0 : i32
    return %c0_i32, %c0_i32_0 : i32, i32
  }
  func.func @transform_9(%arg0: i32) -> (i32, i32) {
    %c0_i32 = arith.constant 0 : i32
    %c0_i32_0 = arith.constant 0 : i32
    %c0_i32_1 = arith.constant 0 : i32
    return %c0_i32, %c0_i32_0 : i32, i32
  }
  func.func @transform_10(%arg0: i32) -> (i32, i32) {
    %c0_i32 = arith.constant 0 : i32
    %c0_i32_0 = arith.constant 0 : i32
    %c0_i32_1 = arith.constant 0 : i32
    return %c0_i32, %c0_i32_0 : i32, i32
  }
  func.func @transform_11(%arg0: i32) -> (i32, i32) {
    %c0_i32 = arith.constant 0 : i32
    %c0_i32_0 = arith.constant 0 : i32
    %c0_i32_1 = arith.constant 0 : i32
    return %c0_i32, %c0_i32_0 : i32, i32
  }
  func.func @transform_12(%arg0: i32) -> (i32, i32) {
    %c0_i32 = arith.constant 0 : i32
    %c0_i32_0 = arith.constant 0 : i32
    %c0_i32_1 = arith.constant 0 : i32
    return %c0_i32, %c0_i32_0 : i32, i32
  }
  func.func @transform_13(%arg0: i32) -> (i32, i32, i32, i32) {
    %c0_i32 = arith.constant 0 : i32
    %c0_i32_0 = arith.constant 0 : i32
    %c0_i32_1 = arith.constant 0 : i32
    %c0_i32_2 = arith.constant 0 : i32
    return %arg0, %c0_i32, %c0_i32_0, %c0_i32_1 : i32, i32, i32, i32
  }
}

module attributes {stable_mosaic.version = 14 : i64} {
  func.func @_gin_body(%arg0: i32, %arg1: i32, %arg2: memref<262144xbf16, #tpu.memory_space<vmem>>, %arg3: memref<1024x2048xbf16, #tpu.memory_space<vmem>>, %arg4: memref<128x128xf32, #tpu.memory_space<vmem>>, %arg5: memref<1x128xf32, #tpu.memory_space<vmem>>, %arg6: memref<128x128xf32, #tpu.memory_space<vmem>>, %arg7: memref<1x128xf32, #tpu.memory_space<vmem>>, %arg8: memref<256x2048xbf16, #tpu.memory_space<vmem>>) attributes {dimension_semantics = [#tpu.dimension_semantics<arbitrary>, #tpu.dimension_semantics<arbitrary>], iteration_bounds = array<i64: 4, 4>, scalar_prefetch = 0 : i64, scratch_operands = 0 : i64, tpu.core_type = #tpu.core_type<tc>, window_params = [{transform_indices = @transform_0, window_bounds = array<i64: 262144>}, {transform_indices = @transform_1, window_bounds = array<i64: 1024, 2048>}, {pipeline_mode = #tpu.pipeline_mode<synchronous>, transform_indices = @transform_2, window_bounds = array<i64: 128, 128>}, {pipeline_mode = #tpu.pipeline_mode<synchronous>, transform_indices = @transform_3, window_bounds = array<i64: 1, 128>}, {pipeline_mode = #tpu.pipeline_mode<synchronous>, transform_indices = @transform_4, window_bounds = array<i64: 128, 128>}, {pipeline_mode = #tpu.pipeline_mode<synchronous>, transform_indices = @transform_5, window_bounds = array<i64: 1, 128>}, {transform_indices = @transform_6, window_bounds = array<i64: 256, 2048>}]} {
    %get3A = arith.constant 0 : index
    %get3A_0 = arith.constant 0 : index
    %get3A_1 = vector.load %arg3[%get3A, %get3A_0] : memref<1024x2048xbf16, #tpu.memory_space<vmem>>, vector<1024x2048xbf16>
    %get3A_2 = arith.constant 0 : index
    %get3A_3 = vector.load %arg2[%get3A_2] : memref<262144xbf16, #tpu.memory_space<vmem>>, vector<262144xbf16>
    %reshape3A = vector.shape_cast %get3A_3 : vector<262144xbf16> to vector<256x1024xbf16>
    %dot_general3A = arith.constant dense<0.000000e+00> : vector<256x2048xf32>
    %dot_general3A_4 = tpu.matmul %reshape3A, %get3A_1, %dot_general3A {dimension_numbers = #tpu.dot_dimension_numbers<[1], [0], [0], [1], [0, 0, 1, 1], [], []>, transpose_lhs_hint = false} : vector<256x1024xbf16>, vector<1024x2048xbf16>, vector<256x2048xf32> -> vector<256x2048xf32>
    %mul3A = arith.constant 256 : i32
    %mul3A_5 = arith.muli %arg1, %mul3A : i32
    %get3A_6 = arith.index_cast %mul3A_5 : i32 to index
    %get3A_7 = arith.constant 0 : index
    %get3A_8 = vector.load %arg3[%get3A_6, %get3A_7] : memref<1024x2048xbf16, #tpu.memory_space<vmem>>, vector<256x2048xbf16>
    %convert_element_type3A = arith.extf %get3A_8 : vector<256x2048xbf16> to vector<256x2048xf32>
    %add3A = arith.addf %convert_element_type3A, %dot_general3A_4 : vector<256x2048xf32>
    %reshape3A_9 = vector.shape_cast %add3A : vector<256x2048xf32> to vector<4096x128xf32>
    %convert_element_type3A_10 = arith.truncf %reshape3A_9 : vector<4096x128xf32> to vector<4096x128xbf16>
    %get3A_11 = arith.constant 0 : index
    %get3A_12 = arith.constant 0 : index
    %get3A_13 = vector.load %arg4[%get3A_11, %get3A_12] : memref<128x128xf32, #tpu.memory_space<vmem>>, vector<128x128xf32>
    %convert_element_type3A_14 = arith.truncf %get3A_13 : vector<128x128xf32> to vector<128x128xbf16>
    %dot_general3A_15 = arith.constant dense<0.000000e+00> : vector<4096x128xf32>
    %dot_general3A_16 = tpu.matmul %convert_element_type3A_10, %convert_element_type3A_14, %dot_general3A_15 {dimension_numbers = #tpu.dot_dimension_numbers<[1], [0], [0], [1], [0, 0, 1, 1], [], []>, transpose_lhs_hint = false} : vector<4096x128xbf16>, vector<128x128xbf16>, vector<4096x128xf32> -> vector<4096x128xf32>
    %get3A_17 = arith.constant 0 : index
    %get3A_18 = arith.constant 0 : index
    %get3A_19 = vector.load %arg5[%get3A_17, %get3A_18] : memref<1x128xf32, #tpu.memory_space<vmem>>, vector<1x128xf32>
    %add3A_20 = vector.broadcast %get3A_19 : vector<1x128xf32> to vector<4096x128xf32>
    %add3A_21 = arith.addf %dot_general3A_16, %add3A_20 : vector<4096x128xf32>
    %max3A = arith.constant 0.000000e+00 : f32
    %max3A_22 = vector.broadcast %max3A : f32 to vector<4096x128xf32>
    %max3A_23 = arith.maximumf %add3A_21, %max3A_22 : vector<4096x128xf32>
    %convert_element_type3A_24 = arith.truncf %max3A_23 : vector<4096x128xf32> to vector<4096x128xbf16>
    %get3A_25 = arith.constant 0 : index
    %get3A_26 = arith.constant 0 : index
    %get3A_27 = vector.load %arg6[%get3A_25, %get3A_26] : memref<128x128xf32, #tpu.memory_space<vmem>>, vector<128x128xf32>
    %convert_element_type3A_28 = arith.truncf %get3A_27 : vector<128x128xf32> to vector<128x128xbf16>
    %dot_general3A_29 = arith.constant dense<0.000000e+00> : vector<4096x128xf32>
    %dot_general3A_30 = tpu.matmul %convert_element_type3A_24, %convert_element_type3A_28, %dot_general3A_29 {dimension_numbers = #tpu.dot_dimension_numbers<[1], [0], [0], [1], [0, 0, 1, 1], [], []>, transpose_lhs_hint = false} : vector<4096x128xbf16>, vector<128x128xbf16>, vector<4096x128xf32> -> vector<4096x128xf32>
    %get3A_31 = arith.constant 0 : index
    %get3A_32 = arith.constant 0 : index
    %get3A_33 = vector.load %arg7[%get3A_31, %get3A_32] : memref<1x128xf32, #tpu.memory_space<vmem>>, vector<1x128xf32>
    %add3A_34 = vector.broadcast %get3A_33 : vector<1x128xf32> to vector<4096x128xf32>
    %add3A_35 = arith.addf %dot_general3A_30, %add3A_34 : vector<4096x128xf32>
    %reshape3A_36 = vector.shape_cast %add3A_35 : vector<4096x128xf32> to vector<256x2048xf32>
    %convert_element_type3A_37 = arith.truncf %reshape3A_36 : vector<256x2048xf32> to vector<256x2048xbf16>
    %swap3A = arith.constant 0 : index
    %swap3A_38 = arith.constant 0 : index
    %swap3A_39 = vector.load %arg8[%swap3A, %swap3A_38] : memref<256x2048xbf16, #tpu.memory_space<vmem>>, vector<256x2048xbf16>
    tpu.vector_store %arg8[%swap3A, %swap3A_38], %convert_element_type3A_37 {strides = array<i32>} : memref<256x2048xbf16, #tpu.memory_space<vmem>>, vector<256x2048xbf16>,
    return
  }
  func.func @transform_0(%arg0: i32, %arg1: i32) -> i32 {
    %c0_i32 = arith.constant 0 : i32
    return %arg1 : i32
  }
  func.func @transform_1(%arg0: i32, %arg1: i32) -> (i32, i32) {
    %c0_i32 = arith.constant 0 : i32
    %c0_i32_0 = arith.constant 0 : i32
    return %c0_i32, %arg0 : i32, i32
  }
  func.func @transform_2(%arg0: i32, %arg1: i32) -> (i32, i32) {
    %c0_i32 = arith.constant 0 : i32
    %c0_i32_0 = arith.constant 0 : i32
    %c0_i32_1 = arith.constant 0 : i32
    return %c0_i32, %c0_i32_0 : i32, i32
  }
  func.func @transform_3(%arg0: i32, %arg1: i32) -> (i32, i32) {
    %c0_i32 = arith.constant 0 : i32
    %c0_i32_0 = arith.constant 0 : i32
    %c0_i32_1 = arith.constant 0 : i32
    return %c0_i32, %c0_i32_0 : i32, i32
  }
  func.func @transform_4(%arg0: i32, %arg1: i32) -> (i32, i32) {
    %c0_i32 = arith.constant 0 : i32
    %c0_i32_0 = arith.constant 0 : i32
    %c0_i32_1 = arith.constant 0 : i32
    return %c0_i32, %c0_i32_0 : i32, i32
  }
  func.func @transform_5(%arg0: i32, %arg1: i32) -> (i32, i32) {
    %c0_i32 = arith.constant 0 : i32
    %c0_i32_0 = arith.constant 0 : i32
    %c0_i32_1 = arith.constant 0 : i32
    return %c0_i32, %c0_i32_0 : i32, i32
  }
  func.func @transform_6(%arg0: i32, %arg1: i32) -> (i32, i32) {
    %c0_i32 = arith.constant 0 : i32
    return %arg1, %arg0 : i32, i32
  }
}

module attributes {stable_mosaic.version = 14 : i64} {
  func.func @_gin_last_body(%arg0: i32, %arg1: i32, %arg2: memref<262144xbf16, #tpu.memory_space<vmem>>, %arg3: memref<1024x2048xbf16, #tpu.memory_space<vmem>>, %arg4: memref<128x128xf32, #tpu.memory_space<vmem>>, %arg5: memref<1x128xf32, #tpu.memory_space<vmem>>, %arg6: memref<1x256x128xf32, #tpu.memory_space<vmem>>) attributes {dimension_semantics = [#tpu.dimension_semantics<arbitrary>, #tpu.dimension_semantics<arbitrary>], iteration_bounds = array<i64: 4, 4>, scalar_prefetch = 0 : i64, scratch_operands = 0 : i64, tpu.core_type = #tpu.core_type<tc>, window_params = [{transform_indices = @transform_0, window_bounds = array<i64: 262144>}, {transform_indices = @transform_1, window_bounds = array<i64: 1024, 2048>}, {pipeline_mode = #tpu.pipeline_mode<synchronous>, transform_indices = @transform_2, window_bounds = array<i64: 128, 128>}, {pipeline_mode = #tpu.pipeline_mode<synchronous>, transform_indices = @transform_3, window_bounds = array<i64: 1, 128>}, {transform_indices = @transform_4, window_bounds = array<i64: 1, 256, 128>}]} {
    %get3A = arith.constant 0 : index
    %get3A_0 = arith.constant 0 : index
    %get3A_1 = vector.load %arg3[%get3A, %get3A_0] : memref<1024x2048xbf16, #tpu.memory_space<vmem>>, vector<1024x2048xbf16>
    %get3A_2 = arith.constant 0 : index
    %get3A_3 = vector.load %arg2[%get3A_2] : memref<262144xbf16, #tpu.memory_space<vmem>>, vector<262144xbf16>
    %reshape3A = vector.shape_cast %get3A_3 : vector<262144xbf16> to vector<256x1024xbf16>
    %dot_general3A = arith.constant dense<0.000000e+00> : vector<256x2048xf32>
    %dot_general3A_4 = tpu.matmul %reshape3A, %get3A_1, %dot_general3A {dimension_numbers = #tpu.dot_dimension_numbers<[1], [0], [0], [1], [0, 0, 1, 1], [], []>, transpose_lhs_hint = false} : vector<256x1024xbf16>, vector<1024x2048xbf16>, vector<256x2048xf32> -> vector<256x2048xf32>
    %mul3A = arith.constant 256 : i32
    %mul3A_5 = arith.muli %arg1, %mul3A : i32
    %get3A_6 = arith.index_cast %mul3A_5 : i32 to index
    %get3A_7 = arith.constant 0 : index
    %get3A_8 = vector.load %arg3[%get3A_6, %get3A_7] : memref<1024x2048xbf16, #tpu.memory_space<vmem>>, vector<256x2048xbf16>
    %convert_element_type3A = arith.extf %get3A_8 : vector<256x2048xbf16> to vector<256x2048xf32>
    %add3A = arith.addf %convert_element_type3A, %dot_general3A_4 : vector<256x2048xf32>
    %reshape3A_9 = vector.shape_cast %add3A : vector<256x2048xf32> to vector<4096x128xf32>
    %convert_element_type3A_10 = arith.truncf %reshape3A_9 : vector<4096x128xf32> to vector<4096x128xbf16>
    %get3A_11 = arith.constant 0 : index
    %get3A_12 = arith.constant 0 : index
    %get3A_13 = vector.load %arg4[%get3A_11, %get3A_12] : memref<128x128xf32, #tpu.memory_space<vmem>>, vector<128x128xf32>
    %convert_element_type3A_14 = arith.truncf %get3A_13 : vector<128x128xf32> to vector<128x128xbf16>
    %dot_general3A_15 = arith.constant dense<0.000000e+00> : vector<4096x128xf32>
    %dot_general3A_16 = tpu.matmul %convert_element_type3A_10, %convert_element_type3A_14, %dot_general3A_15 {dimension_numbers = #tpu.dot_dimension_numbers<[1], [0], [0], [1], [0, 0, 1, 1], [], []>, transpose_lhs_hint = false} : vector<4096x128xbf16>, vector<128x128xbf16>, vector<4096x128xf32> -> vector<4096x128xf32>
    %get3A_17 = arith.constant 0 : index
    %get3A_18 = arith.constant 0 : index
    %get3A_19 = vector.load %arg5[%get3A_17, %get3A_18] : memref<1x128xf32, #tpu.memory_space<vmem>>, vector<1x128xf32>
    %add3A_20 = vector.broadcast %get3A_19 : vector<1x128xf32> to vector<4096x128xf32>
    %add3A_21 = arith.addf %dot_general3A_16, %add3A_20 : vector<4096x128xf32>
    %max3A = arith.constant 0.000000e+00 : f32
    %max3A_22 = vector.broadcast %max3A : f32 to vector<4096x128xf32>
    %max3A_23 = arith.maximumf %add3A_21, %max3A_22 : vector<4096x128xf32>
    %reshape3A_24 = vector.shape_cast %max3A_23 : vector<4096x128xf32> to vector<256x16x128xf32>
    %reduce_sum3A = arith.constant dense<0.000000e+00> : vector<256x128xf32>
    %reduce_sum3A_25 = vector.multi_reduction <add>, %reshape3A_24, %reduce_sum3A [1] : vector<256x16x128xf32> to vector<256x128xf32>
    %swap3A = arith.constant 0 : index
    %swap3A_26 = arith.constant 0 : index
    %swap3A_27 = arith.constant 0 : index
    %swap3A_28 = vector.load %arg6[%swap3A, %swap3A_26, %swap3A_27] : memref<1x256x128xf32, #tpu.memory_space<vmem>>, vector<1x256x128xf32>
    %swap3A_29 = vector.shape_cast %swap3A_28 : vector<1x256x128xf32> to vector<256x128xf32>
    %swap3A_30 = vector.shape_cast %reduce_sum3A_25 : vector<256x128xf32> to vector<1x256x128xf32>
    tpu.vector_store %arg6[%swap3A, %swap3A_26, %swap3A_27], %swap3A_30 {strides = array<i32>} : memref<1x256x128xf32, #tpu.memory_space<vmem>>, vector<1x256x128xf32>,
    return
  }
  func.func @transform_0(%arg0: i32, %arg1: i32) -> i32 {
    %c0_i32 = arith.constant 0 : i32
    return %arg1 : i32
  }
  func.func @transform_1(%arg0: i32, %arg1: i32) -> (i32, i32) {
    %c0_i32 = arith.constant 0 : i32
    %c0_i32_0 = arith.constant 0 : i32
    return %c0_i32, %arg0 : i32, i32
  }
  func.func @transform_2(%arg0: i32, %arg1: i32) -> (i32, i32) {
    %c0_i32 = arith.constant 0 : i32
    %c0_i32_0 = arith.constant 0 : i32
    %c0_i32_1 = arith.constant 0 : i32
    return %c0_i32, %c0_i32_0 : i32, i32
  }
  func.func @transform_3(%arg0: i32, %arg1: i32) -> (i32, i32) {
    %c0_i32 = arith.constant 0 : i32
    %c0_i32_0 = arith.constant 0 : i32
    %c0_i32_1 = arith.constant 0 : i32
    return %c0_i32, %c0_i32_0 : i32, i32
  }
  func.func @transform_4(%arg0: i32, %arg1: i32) -> (i32, i32, i32) {
    %c0_i32 = arith.constant 0 : i32
    %c0_i32_0 = arith.constant 0 : i32
    return %arg0, %arg1, %c0_i32 : i32, i32, i32
  }
}

module attributes {stable_mosaic.version = 14 : i64} {
  func.func @_final_body(%arg0: i32, %arg1: memref<4x256x128xf32, #tpu.memory_space<vmem>>, %arg2: memref<128x128xf32, #tpu.memory_space<vmem>>, %arg3: memref<1x128xf32, #tpu.memory_space<vmem>>, %arg4: memref<128x64xf32, #tpu.memory_space<vmem>>, %arg5: memref<1x64xf32, #tpu.memory_space<vmem>>, %arg6: memref<256x64xf32, #tpu.memory_space<vmem>>) attributes {dimension_semantics = [#tpu.dimension_semantics<arbitrary>], iteration_bounds = array<i64: 4>, scalar_prefetch = 0 : i64, scratch_operands = 0 : i64, tpu.core_type = #tpu.core_type<tc>, window_params = [{transform_indices = @transform_0, window_bounds = array<i64: 4, 256, 128>}, {pipeline_mode = #tpu.pipeline_mode<synchronous>, transform_indices = @transform_1, window_bounds = array<i64: 128, 128>}, {pipeline_mode = #tpu.pipeline_mode<synchronous>, transform_indices = @transform_2, window_bounds = array<i64: 1, 128>}, {pipeline_mode = #tpu.pipeline_mode<synchronous>, transform_indices = @transform_3, window_bounds = array<i64: 128, 64>}, {pipeline_mode = #tpu.pipeline_mode<synchronous>, transform_indices = @transform_4, window_bounds = array<i64: 1, 64>}, {transform_indices = @transform_5, window_bounds = array<i64: 256, 64>}]} {
    %get3A = arith.constant 0 : index
    %get3A_0 = arith.constant 0 : index
    %get3A_1 = arith.constant 0 : index
    %get3A_2 = vector.load %arg1[%get3A, %get3A_0, %get3A_1] : memref<4x256x128xf32, #tpu.memory_space<vmem>>, vector<4x256x128xf32>
    %reduce_sum3A = arith.constant dense<0.000000e+00> : vector<256x128xf32>
    %reduce_sum3A_3 = vector.multi_reduction <add>, %get3A_2, %reduce_sum3A [0] : vector<4x256x128xf32> to vector<256x128xf32>
    %get3A_4 = arith.constant 0 : index
    %get3A_5 = arith.constant 0 : index
    %get3A_6 = vector.load %arg2[%get3A_4, %get3A_5] : memref<128x128xf32, #tpu.memory_space<vmem>>, vector<128x128xf32>
    %get3A_7 = arith.constant 0 : index
    %get3A_8 = arith.constant 0 : index
    %get3A_9 = vector.load %arg4[%get3A_7, %get3A_8] : memref<128x64xf32, #tpu.memory_space<vmem>>, vector<128x64xf32>
    %dot_general3A = arith.constant dense<0.000000e+00> : vector<128x64xf32>
    %dot_general3A_10 = tpu.matmul %get3A_6, %get3A_9, %dot_general3A {dimension_numbers = #tpu.dot_dimension_numbers<[1], [0], [0], [1], [0, 0, 1, 1], [], []>, transpose_lhs_hint = false} : vector<128x128xf32>, vector<128x64xf32>, vector<128x64xf32> -> vector<128x64xf32>
    %get3A_11 = arith.constant 0 : index
    %get3A_12 = arith.constant 0 : index
    %get3A_13 = vector.load %arg3[%get3A_11, %get3A_12] : memref<1x128xf32, #tpu.memory_space<vmem>>, vector<1x128xf32>
    %get3A_14 = arith.constant 0 : index
    %get3A_15 = arith.constant 0 : index
    %get3A_16 = vector.load %arg4[%get3A_14, %get3A_15] : memref<128x64xf32, #tpu.memory_space<vmem>>, vector<128x64xf32>
    %dot_general3A_17 = arith.constant dense<0.000000e+00> : vector<1x64xf32>
    %dot_general3A_18 = tpu.matmul %get3A_13, %get3A_16, %dot_general3A_17 {dimension_numbers = #tpu.dot_dimension_numbers<[1], [0], [0], [1], [0, 0, 1, 1], [], []>, transpose_lhs_hint = false} : vector<1x128xf32>, vector<128x64xf32>, vector<1x64xf32> -> vector<1x64xf32>
    %mul3A = arith.constant 6.400000e+01 : f32
    %mul3A_19 = vector.broadcast %mul3A : f32 to vector<1x64xf32>
    %mul3A_20 = arith.mulf %mul3A_19, %dot_general3A_18 : vector<1x64xf32>
    %get3A_21 = arith.constant 0 : index
    %get3A_22 = arith.constant 0 : index
    %get3A_23 = vector.load %arg5[%get3A_21, %get3A_22] : memref<1x64xf32, #tpu.memory_space<vmem>>, vector<1x64xf32>
    %add3A = arith.addf %mul3A_20, %get3A_23 : vector<1x64xf32>
    %dot_general3A_24 = arith.constant dense<0.000000e+00> : vector<256x64xf32>
    %dot_general3A_25 = tpu.matmul %reduce_sum3A_3, %dot_general3A_10, %dot_general3A_24 {dimension_numbers = #tpu.dot_dimension_numbers<[1], [0], [0], [1], [0, 0, 1, 1], [], []>, transpose_lhs_hint = false} : vector<256x128xf32>, vector<128x64xf32>, vector<256x64xf32> -> vector<256x64xf32>
    %add3A_26 = vector.broadcast %add3A : vector<1x64xf32> to vector<256x64xf32>
    %add3A_27 = arith.addf %dot_general3A_25, %add3A_26 : vector<256x64xf32>
    %mul3A_28 = arith.constant 5.000000e-01 : f32
    %mul3A_29 = vector.broadcast %mul3A_28 : f32 to vector<256x64xf32>
    %mul3A_30 = arith.mulf %add3A_27, %mul3A_29 : vector<256x64xf32>
    %mul3A_31 = arith.constant 0.707106769 : f32
    %mul3A_32 = vector.broadcast %mul3A_31 : f32 to vector<256x64xf32>
    %mul3A_33 = arith.mulf %add3A_27, %mul3A_32 : vector<256x64xf32>
    %erf3A = math.erf %mul3A_33 : vector<256x64xf32>
    %add3A_34 = arith.constant 1.000000e+00 : f32
    %add3A_35 = vector.broadcast %add3A_34 : f32 to vector<256x64xf32>
    %add3A_36 = arith.addf %add3A_35, %erf3A : vector<256x64xf32>
    %mul3A_37 = arith.mulf %mul3A_30, %add3A_36 : vector<256x64xf32>
    %swap3A = arith.constant 0 : index
    %swap3A_38 = arith.constant 0 : index
    %swap3A_39 = vector.load %arg6[%swap3A, %swap3A_38] : memref<256x64xf32, #tpu.memory_space<vmem>>, vector<256x64xf32>
    tpu.vector_store %arg6[%swap3A, %swap3A_38], %mul3A_37 {strides = array<i32>} : memref<256x64xf32, #tpu.memory_space<vmem>>, vector<256x64xf32>,
    return
  }
  func.func @transform_0(%arg0: i32) -> (i32, i32, i32) {
    %c0_i32 = arith.constant 0 : i32
    %c0_i32_0 = arith.constant 0 : i32
    %c0_i32_1 = arith.constant 0 : i32
    return %c0_i32, %arg0, %c0_i32_0 : i32, i32, i32
  }
  func.func @transform_1(%arg0: i32) -> (i32, i32) {
    %c0_i32 = arith.constant 0 : i32
    %c0_i32_0 = arith.constant 0 : i32
    %c0_i32_1 = arith.constant 0 : i32
    return %c0_i32, %c0_i32_0 : i32, i32
  }
  func.func @transform_2(%arg0: i32) -> (i32, i32) {
    %c0_i32 = arith.constant 0 : i32
    %c0_i32_0 = arith.constant 0 : i32
    %c0_i32_1 = arith.constant 0 : i32
    return %c0_i32, %c0_i32_0 : i32, i32
  }
  func.func @transform_3(%arg0: i32) -> (i32, i32) {
    %c0_i32 = arith.constant 0 : i32
    %c0_i32_0 = arith.constant 0 : i32
    %c0_i32_1 = arith.constant 0 : i32
    return %c0_i32, %c0_i32_0 : i32, i32
  }
  func.func @transform_4(%arg0: i32) -> (i32, i32) {
    %c0_i32 = arith.constant 0 : i32
    %c0_i32_0 = arith.constant 0 : i32
    %c0_i32_1 = arith.constant 0 : i32
    return %c0_i32, %c0_i32_0 : i32, i32
  }
  func.func @transform_5(%arg0: i32) -> (i32, i32) {
    %c0_i32 = arith.constant 0 : i32
    %c0_i32_0 = arith.constant 0 : i32
    return %arg0, %c0_i32 : i32, i32
  }
}

</mosaic_0001>

<sc_bundles>
// kernel: kernel.8.cloned.1.call-start
scs
__scs_entry_jumppad:
0x0: {  	(pc) =	sbr.rel $0x88, $3  }
0x1: {  	(tag) =	ssettag $0x0;
	lr =	simm.s32 $0x1  }
0x2: {  	[smem:$0x3F86] =	sst lr;
	_ =	strace $0xD0000000  }
0x3: {  	_ = 	snop  }
0x4: {  	_ = 	snop  }
0x5: {  	_ = 	snop  }
0x6: {  	_ = 	snop  }
0x7: {  	_ = 	snop  }
__scs_overlays_trampoline_lowered:
0x8: {  	[smem:$0x3F95] =	sst s0  }
0x9: {  	[smem:$0x3F96] =	sst s1  }
0xa: {  	[smem:$0x3F97] =	sst s2  }
0xb: {  	[smem:$0x3F98] =	sst s3  }
0xc: {  	[smem:$0x3F99] =	sst s4  }
0xd: {  	[smem:$0x3F9A] =	sst s5  }
0xe: {  	[smem:$0x3F9B] =	sst s6  }
0xf: {  	[smem:$0x3F9C] =	sst s7  }
0x10: {  	[smem:$0x3F9D] =	sst s8  }
0x11: {  	[smem:$0x3F9E] =	sst s9;
	s0 =	simm.s32 @!p0 $0x0  }
0x12: {  	s1 =	sld [smem:$0x3F84];
	s0 =	simm.s32 @p0 $0x1  }
0x13: {  	[smem:$0x3F9F] =	sst s0;
	s0 =	simm.s32 @!p1 $0x0  }
0x14: {  	s2 =	sld [smem:$0x3F83];
	s0 =	simm.s32 @p1 $0x1  }
0x15: {  	[smem:$0x3FA0] =	sst s0;
	s0 =	simm.s32 @!p2 $0x0  }
0x16: {  	s3 =	sld [smem:$0x3FDB];
	s0 =	simm.s32 @p2 $0x1  }
0x17: {  	s4 =	simm.s32 $0x1BF5;
	[smem:$0x3FA2] =	sst s0  }
0x18: {  	s0 =	sld [smem:$0x3F85];
	_ =	swait.ge [sflag:s4], $0x0  }
0x19: {  	s7 =	sld [smem:$0x3F86]  }
0x1a: {  	s8 =	sadd.s32 $0xFFFFE003, lr  }
0x1b: {  	s9 =	sadd.s32 $0xFFFFFEF7, lr;
	s5 =	simm.s32 $0xFFFFFFFF;
	p2 =	slt.u32 s8, $0xFFFFF086  }
0x1c: {  	p1 =	slt.u32 s9, $0xF7A;
	s5 =	simm.s32 @!p2 $0x0  }
0x1d: {  	s5 =	simm.s32 @p1 $0x1;
	p0 =	seq.s32 s7, s2  }
0x1e: {  	s7 =	smul.u32 @!p0 $0xF7A, s2;
	p2 =	seq.s32 @!p0 s5, $0x0  }
0x1f: {  	s9 =	smul.u32 $0xF7A, s1;
	s8 =	simm.s32 @!p0 $0x1BF5;
	p2 =	por !p2, p0  }
0x20: {  	[sflag:s8] =	ssyncset.s32 @!p0 $0xFFFFF086;
	s6 =	sadd.s32 @!p0 s3, s7;
	s7 =	simm.s32 @!p0 $0x108  }
0x21: {  	s3 =	sadd.s32 s3, s9;
	s6 =	sadd.s32 @!p0 $0x88, s6;
	s7 =	simm.s32 @p2 $0x1082  }
0x22: {  	[simem:s7], [sflag:s8] =	dma.local @!p0 [hbm:s6], $0xF7A  }
0x23: {  	s9 =	sor.u32 $0xD0000000, s2;
	s6 =	simm.s32 $0x108;
	_ =	swait.ge @!p0 [sflag:s8], $0x0  }
0x24: {  	s3 =	sadd.s32 $0x88, s3;
	s6 =	simm.s32 @!p1 $0x1082;
	[sflag:s4] =	ssyncset.s32 $0xFFFFF086  }
0x25: {  	[simem:s6], [sflag:s4] =	dma.local [hbm:s3], $0xF7A  }
0x26: {  	[smem:$0x3F86] =	sst s1;
	(tag) =	ssettag s2;
	_ =	strace s9  }
0x27: {  	s1 =	sld [smem:$0x3F96]  }
0x28: {  	s2 =	sld [smem:$0x3F97]  }
0x29: {  	s4 =	sld [smem:$0x3F99]  }
0x2a: {  	p0 =	seq.s32 s5, $0x0;
	s5 =	sld [smem:$0x3F9A]  }
0x2b: {  	s6 =	sld [smem:$0x3F9B]  }
0x2c: {  	s7 =	sld [smem:$0x3F9C]  }
0x2d: {  	s3 =	simm.s32 $0x108;
	s8 =	sld [smem:$0x3F9D]  }
0x2e: {  	s3 =	simm.s32 @!p0 $0x1082;
	s9 =	sld [smem:$0x3F9E]  }
0x2f: {  	lr =	sadd.s32 s0, s3;
	s0 =	sld [smem:$0x3F95]  }
0x30: {  	s3 =	sld [smem:$0x3F98]  }
0x31: {  	[smem:$0x3FA1] =	sst s10  }
0x32: {  	s10 =	sld [smem:$0x3F9F];
	_ =	sdelay $0x3  }
0x33: {  	p0 =	seq.s32 s10, $0x1;
	s10 =	sld [smem:$0x3FA1];
	_ =	sdelay $0x3  }
0x34: {  	[smem:$0x3FA1] =	sst s10  }
0x35: {  	s10 =	sld [smem:$0x3FA0];
	_ =	sdelay $0x3  }
0x36: {  	p1 =	seq.s32 s10, $0x1;
	s10 =	sld [smem:$0x3FA1];
	_ =	sdelay $0x3  }
0x37: {  	[smem:$0x3FA1] =	sst s10  }
0x38: {  	s10 =	sld [smem:$0x3FA2]  }
0x39: {  	_ = 	snop;
	(pc) =	sbr.ind lr, $3  }
0x3a: {  	_ = 	snop  }
0x3b: {  	_ = 	snop  }
0x3c: {  	p2 =	seq.s32 s10, $0x1;
	s10 =	sld [smem:$0x3FA1]  }
0x3d: {  	_ =	shalt  }
0x3e: {  	_ =	shalt  }
0x3f: {  	_ =	shalt  }
0x40: {  	_ =	shalt  }
0x41: {  	_ =	shalt  }
0x42: {  	_ =	shalt  }
0x43: {  	_ =	shalt  }
0x44: {  	_ =	shalt  }
0x45: {  	_ =	shalt  }
0x46: {  	_ =	shalt  }
0x47: {  	_ =	shalt  }
0x48: {  	_ =	shalt  }
0x49: {  	_ =	shalt  }
0x4a: {  	_ =	shalt  }
0x4b: {  	_ =	shalt  }
0x4c: {  	_ =	shalt  }
0x4d: {  	_ =	shalt  }
0x4e: {  	_ =	shalt  }
0x4f: {  	_ =	shalt  }
0x50: {  	_ =	shalt  }
0x51: {  	_ =	shalt  }
0x52: {  	_ =	shalt  }
0x53: {  	_ =	shalt  }
0x54: {  	_ =	shalt  }
0x55: {  	_ =	shalt  }
0x56: {  	_ =	shalt  }
0x57: {  	_ =	shalt  }
0x58: {  	_ =	shalt  }
0x59: {  	_ =	shalt  }
0x5a: {  	_ =	shalt  }
0x5b: {  	_ =	shalt  }
0x5c: {  	_ =	shalt  }
0x5d: {  	_ =	shalt  }
0x5e: {  	_ =	shalt  }
0x5f: {  	_ =	shalt  }
0x60: {  	_ =	shalt  }
0x61: {  	_ =	shalt  }
0x62: {  	_ =	shalt  }
0x63: {  	_ =	shalt  }
0x64: {  	_ =	shalt  }
0x65: {  	_ =	shalt  }
0x66: {  	_ =	shalt  }
0x67: {  	_ =	shalt  }
0x68: {  	_ =	shalt  }
0x69: {  	_ =	shalt  }
0x6a: {  	_ =	shalt  }
0x6b: {  	_ =	shalt  }
0x6c: {  	_ =	shalt  }
0x6d: {  	_ =	shalt  }
0x6e: {  	_ =	shalt  }
0x6f: {  	_ =	shalt  }
0x70: {  	_ =	shalt  }
0x71: {  	_ =	shalt  }
0x72: {  	_ =	shalt  }
0x73: {  	_ =	shalt  }
0x74: {  	_ =	shalt  }
0x75: {  	_ =	shalt  }
0x76: {  	_ =	shalt  }
0x77: {  	_ =	shalt  }
0x78: {  	_ =	shalt  }
0x79: {  	_ =	shalt  }
0x7a: {  	_ =	shalt  }
0x7b: {  	_ =	shalt  }
0x7c: {  	_ =	shalt  }
0x7d: {  	_ =	shalt  }
0x7e: {  	_ =	shalt  }
0x7f: {  	_ =	shalt  }
0x80: {  	_ =	shalt  }
0x81: {  	_ =	shalt  }
0x82: {  	_ =	shalt  }
0x83: {  	_ =	shalt  }
0x84: {  	_ =	shalt  }
0x85: {  	_ =	shalt  }
0x86: {  	_ =	shalt  }
0x87: {  	_ =	shalt  }
.Lfunc_end0:
.L_simem_size_0:
called_computation_lowered:
.L_overlay_start_0:
0x88: {  	s2 =	sld [smem:$0x3FD9]  }
0x89: {  	s3 =	sld [smem:$0x3FFE];
	_ =	sdelay $0x1  }
0x8a: {  	s1 =	srdreg.scid  }
0x8b: {  	s0 =	sand.u32 $0x1, s1  }
0x8c: {  	s17 =	sshll.u32 s0, $0xA;
	s2 =	sadd.s32 s3, s2  }
0x8d: {  	s2 =	sadd.s32 s2, s17  }
0x8e: {  	[smem:$0x3FAD] =	sst s2  }
0x8f: {  	_ = 	snop  }
0x90: {  	s2 =	sld [smem:$0x3FD0];
	(tm) =	ssettm $0x1  }
0x91: {  	s18 =	sld [smem:$0x3FFB];
	_ =	sdelay $0x3  }
0x92: {  	_ =	strace s18  }
0x93: {  	s3 =	sld [smem:$0x3FFC];
	_ =	sdelay $0x3  }
0x94: {  	_ =	strace s3  }
0x95: {  	s3 =	sld [smem:$0x3FFD];
	_ =	sdelay $0x3  }
0x96: {  	_ =	strace s3  }
0x97: {  	_ =	strace $0x8FFFFFFF  }
0x98: {  	s19 =	sld [smem:$0x3FDB];
	_ =	sdelay $0x1  }
0x99: {  	s4 =	simm.s32 $_scs_section_size  }
0x9a: {  	s5 =	simm.s32 $_size__tile_overlayer_lowered;
	s6 =	simm.s32 $_tile_overlayer_lowered  }
0x9b: {  	s22 =	simm.s32 $0x1BFF;
	s21 =	sshll.u32 s6, $0x1;
	s3 =	sadd.s32 s4, s19  }
0x9c: {  	s7 =	simm.s32 $0x0;
	s20 =	sshll.u32 s5, $0x1;
	s5 =	sadd.s32 s21, s3  }
0x9d: {  	[timem:s7], [sflag:s22] =	dma.local [hbm:s5], s20  }
0x9e: {  	_ =	swait.ge [sflag:s22], s20  }
0x9f: {  	s4 =	ssub.s32 $0x0, s20;
	[sflag:s22] =	ssyncset.done $0x0  }
0xa0: {  	[sflag:s22] =	ssyncadd.s32 s4;
	_ =	sdelay $0x1  }
0xa1: {  	s23 =	simm.s32 $0x1B8B  }
0xa2: {  	_ =	swait.ge [sflag:s23], $0x1  }
0xa3: {  	[sflag:s23] =	ssyncset.done $0x0  }
0xa4: {  	s25 =	simm.s32 $0x1B8E;
	s24 =	sld [smem:$0x3FFE];
	[sflag:s23] =	ssyncadd.s32 $0xFFFFFFFF  }
0xa5: {  	s26 =	simm.s32 $execute0_lowered;
	[smem:$0x3FD2] =	sst s25  }
0xa6: {  	s5 =	sshll.u32 s26, $0x1;
	_ =	strace $0x80000046;
	[dreg:$0x1] =	wrdreg $0xFFFFFFFF  }
0xa7: {  	s28 =	simm.s32 $_size_execute0_lowered;
	s3 =	sadd.s32 s3, s5;
	[dreg:$0x0] =	wrdreg $0x0  }
0xa8: {  	s5 =	sshll.u32 s28, $0x1;
	[dreg:$0x2] =	wrdreg s3  }
0xa9: {  	[dreg:$0x3] =	wrdreg s5  }
0xaa: {  	[dreg:$0x4] =	wrdreg $0xC0  }
0xab: {  	_ =	task [dreg:s7], $0x5FFFF  }
0xac: {  	[dreg:$0x1] =	wrdreg $0xFFFFFFFF  }
0xad: {  	[dreg:$0x0] =	wrdreg $0x60  }
0xae: {  	[dreg:$0x2] =	wrdreg s24  }
0xaf: {  	[dreg:$0x3] =	wrdreg s2  }
0xb0: {  	[dreg:$0x4] =	wrdreg $0x9  }
0xb1: {  	_ =	task.clear_ibuf [dreg:s7], $0x5FFFF;
	_ =	strace $0x90000046  }
0xb2: {  	s29 =	simm.s32 $0x9;
	_ =	strace $0x80000048  }
0xb3: {  	_ =	swait.ge [sflag:s29], $0x1  }
0xb4: {  	[sflag:s29] =	ssyncadd.s32 $0xFFFFFFFF  }
0xb5: {  	_ =	strace $0x90000048  }
0xb6: {  	_ =	sfence  }
0xb7: {  	s30 =	sld [smem:$0x0];
	_ =	sdelay $0x2  }
0xb8: {  	s31 =	sshll.u32 s1, $0xD;
	s1 =	sshrl.u32 s1, $0x2  }
0xb9: {  	s3 =	sand.u32 $0x4000, s31;
	s1 =	sadd.s32 s1, s30  }
0xba: {  	s0 =	sor.u32 s3, s0;
	s1 =	sshll.u32 s1, $0x11  }
0xbb: {  	s0 =	sor.u32 s1, s0  }
0xbc: {  	s0 =	sadd.s32 $0x8F2B, s0  }
0xbd: {  	[sflag:s0] =	ssyncadd.remote.s32 $0x1  }
0xbe: {  	_ =	sfence.sel $0xFFFF  }
0xbf: {  	[dreg:$0x0] =	wrdreg $0xFFFFFFFF;
	(pc) =	sbr.abs _section_cstart, $3  }
0xc0: {  	[dreg:$0x1] =	wrdreg $0xFFFFFFFF  }
0xc1: {  	_ =	task.clear_ibuf [dreg:s7], $0x2FFFF;
	_ =	strace $0x9FFFFFFF  }
0xc2: {  	(tm) =	ssettm $0x7FFFFFFF  }
0xc3: {  	_ =	shalt  }
tec
execute0_lowered:
.L_overlay_start_1:
0x0: {  	(tag) =	ssettag $0x1  }
0x1: {  	s5 =	rddreg [dreg:$0x0]  }
0x2: {  	s1 =	rddreg [dreg:$0x1]  }
0x3: {  	s0 =	rddreg [dreg:$0x2];
	s2 =	simm.s32 $0x0;
	s3 =	srdreg.scid  }
0x4: {  	[smem:$0x7FF] =	sst s2;
	s6 =	sand.u32 $0x1, s3  }
0x5: {  	s3 =	stileid.u32;
	s4 =	sadd.s32 $0x4000, s5;
	s7 =	sshll.u32 s6, $0x4  }
0x6: {  	_ =	strace $0x80000047;
	s6 =	ssub.s32 $0x2, s6;
	s7 =	sor.u32 s3, s7  }
0x7: {  	s9 =	sshrl.u32 s6, $0x1;
	s8 =	sshll.u32 s7, $0xC;
	s10 =	sshll.u32 s7, $0x5  }
0x8: {  	s6 =	ssub.s32 s6, s9;
	s7 =	simm.s32 $0x1;
	s9 =	simm.s32 $0x8000  }
0x9: {  	s5 =	sadd.s32 s8, s5;
	s31 =	sadd.s32 $0x20, s10;
	s6 =	smax.u32 s6, $0x1  }
0xa: {  	v2 =	vimm.f32 $0.0e+00;
	v0 =	vmov s10;
	s8 =	simm.s32 $0x4000;
	s10 =	simm.s32 $0x0;
	s5 =	sadd.s32 $0x4800, s5;
	v1 =	vmov s31  }
.LBB2_1:
0xb: {  	[tilespmem:s2], [sflag:$0x1] =	stream.linear.gather [hbm4b:s4+s2], $0x4000, $0x38;
	[tilespmem:$0x10000] =	vst v63  }
0xc: {  	_ =	swait.ge [sflag:s7], $0x4000  }
0xd: {  	[sflag:s7] =	ssyncset.done $0x0  }
0xe: {  	[sflag:s7] =	ssyncadd.s32 $0xFFFFC000  }
0xf: {  	[tilespmem:s8], [sflag:$0x1] =	stream.linear.gather [hbm4b:s1+s2], $0x4000, $0x38;
	[tilespmem:$0x10000] =	vst v63  }
0x10: {  	_ =	swait.ge [sflag:s7], $0x4000  }
0x11: {  	[sflag:s7] =	ssyncset.done $0x0  }
0x12: {  	s11 =	simm.s32 $0x0;
	s12 =	simm.s32 $0x200;
	[sflag:s7] =	ssyncadd.s32 $0xFFFFC000  }
.LBB2_2:
0x13: {  	p0 =	sne.s32 s12, $0x1FE00;
	[tilespmem:s11+$0x8070] =	vst v2  }
0x14: {  	[tilespmem:s11+$0x8000] =	vst v2  }
0x15: {  	[tilespmem:s11+$0x8010] =	vst v2  }
.Ltmp0:
0x16: {  	[tilespmem:s11+$0x8020] =	vst v2;
	(pc) =	sbr.rel @p0 .LBB2_2-.Ltmp0, $4  }
0x17: {  	[tilespmem:s11+$0x8030] =	vst v2  }
0x18: {  	[tilespmem:s11+$0x8040] =	vst v2  }
0x19: {  	[tilespmem:s11+$0x8050] =	vst v2  }
0x1a: {  	[tilespmem:s11+$0x8060] =	vst v2;
	s11 =	sshra.s32 s12, $0x2;
	s12 =	sadd.s32 $0x200, s12  }
0x1b: {  	[tilespmem:s11+$0x8070] =	vst v2  }
0x1c: {  	[tilespmem:s11+$0x8000] =	vst v2  }
0x1d: {  	[tilespmem:s11+$0x8010] =	vst v2  }
0x1e: {  	[tilespmem:s11+$0x8020] =	vst v2  }
0x1f: {  	[tilespmem:s11+$0x8030] =	vst v2  }
0x20: {  	[tilespmem:s11+$0x8040] =	vst v2  }
0x21: {  	[tilespmem:s11+$0x8050] =	vst v2  }
0x22: {  	[tilespmem:s11+$0x8060] =	vst v2;
	s28 =	simm.s32 $0x4020  }
0x23: {  	v3 =	vld [tilespmem:s28+$0x10]  }
0x24: {  	v4 =	vld [tilespmem:s28+$0x0]  }
0x25: {  	v5 =	vld [tilespmem:s28+$0xFFFFFFF0]  }
0x26: {  	v6 =	vld [tilespmem:s28+$0xFFFFFFE0]  }
0x27: {  	s29 =	simm.s32 $0x20  }
0x28: {  	v7 =	vld [tilespmem:s29+$0xFFFFFFE0]  }
0x29: {  	vm0 =	vge.s32 v4, v0;
	vm1 =	vlt.s32 v3, v1;
	vm2 =	vge.s32 v3, v0  }
0x2a: {  	v8 =	vld [tilespmem:s29+$0x0];
	v3 =	vsub.s32 v3, v0;
	vm3 =	vlt.s32 v4, v1;
	v4 =	vsub.s32 v4, v0  }
0x2b: {  	v9 =	vld [tilespmem:s29+$0x10];
	vm4 =	vge.s32 v5, v0;
	v11 =	vsub.s32 v6, v0;
	vm5 =	vge.s32 v6, v0  }
0x2c: {  	v10 =	vld [tilespmem:s29+$0xFFFFFFF0];
	vm6 =	vlt.s32 v6, v1;
	v4 =	vshll.u32 v4, $0xA;
	v11 =	vshll.u32 v11, $0xA  }
0x2d: {  	s30 =	simm.s32 $0x4060;
	vm0 =	vmand vm0, vm3;
	vm3 =	vmand vm5, vm6;
	v6 =	vadd.s32 v7, v11  }
0x2e: {  	vm1 =	vmand vm2, vm1;
	v7 =	vld [tilespmem:s30+$0x10];
	v11 =	vshll.u32 v3, $0xA;
	v3 =	vnsel vm3, $0x0, v6  }
0x2f: {  	vm2 =	vlt.s32 v5, v1;
	v5 =	vsub.s32 v5, v0;
	v4 =	vadd.s32 v8, v4;
	v8 =	vld [tilespmem:s30+$0x0];
	(xrf1) =	vunique.msk.u32 vm3, v3  }
0x30: {  	v5 =	vshll.u32 v5, $0xA;
	v6 =	vadd.s32 v9, v11;
	v4 =	vnsel vm0, $0x0, v4  }
0x31: {  	vm2 =	vmand vm4, vm2;
	v5 =	vadd.s32 v10, v5;
	v9 =	vld [tilespmem:s30+$0xFFFFFFF0];
	v6 =	vnsel vm1, $0x0, v6;
	(xrf1) =	vunique.msk.u32 vm0, v4  }
0x32: {  	v10 =	vld [tilespmem:s30+$0xFFFFFFE0];
	v5 =	vnsel vm2, $0x0, v5;
	(xrf1) =	vunique.msk.u32 vm1, v6  }
0x33: {  	s12 =	simm.s32 $0x60;
	(xrf1) =	vunique.msk.u32 vm2, v5  }
0x34: {  	v12 =	vld [tilespmem:s12+$0xFFFFFFE0];
	vm0 =	vge.s32 v8, v0;
	vm1 =	vlt.s32 v7, v1;
	vm2 =	vge.s32 v7, v0  }
0x35: {  	v14 =	vld [tilespmem:s12+$0x0];
	v7 =	vsub.s32 v7, v0;
	vm3 =	vlt.s32 v8, v1;
	v8 =	vsub.s32 v8, v0  }
0x36: {  	v11 =	vld [tilespmem:s12+$0xFFFFFFF0];
	vm4 =	vge.s32 v9, v0;
	v8 =	vshll.u32 v8, $0xA;
	vm2 =	vmand vm2, vm1  }
0x37: {  	v13 =	vld [tilespmem:s12+$0x10];
	v16 =	vsub.s32 v10, v0;
	vm1 =	vlt.s32 v9, v1;
	vm5 =	vge.s32 v10, v0  }
0x38: {  	s31 =	simm.s32 $0x40A0;
	vm6 =	vlt.s32 v10, v1;
	v9 =	vsub.s32 v9, v0;
	v7 =	vshll.u32 v7, $0xA  }
0x39: {  	v15 =	vld [tilespmem:s31+$0x10];
	v16 =	vshll.u32 v16, $0xA;
	vm4 =	vmand vm4, vm1;
	vm1 =	vmand vm0, vm3  }
0x3a: {  	v19 =	vld [tilespmem:s31+$0x0];
	vm0 =	vmand vm5, vm6;
	v10 =	vadd.s32 v12, v16;
	v12 =	vshll.u32 v9, $0xA  }
0x3b: {  	v8 =	vadd.s32 v14, v8;
	v9 =	vnsel vm0, $0x0, v10;
	v10 =	vadd.s32 v11, v12  }
0x3c: {  	v12 =	vld [tilespmem:s31+$0xFFFFFFF0];
	v11 =	vadd.s32 v13, v7;
	v7 =	vnsel vm4, $0x0, v10;
	v10 =	vnsel vm1, $0x0, v8;
	(xrf1) =	vunique.msk.u32 vm0, v9  }
0x3d: {  	s11 =	simm.s32 $0xA0;
	v14 =	vld [tilespmem:s31+$0xFFFFFFE0];
	v8 =	vnsel vm2, $0x0, v11;
	_, v16, vm0 =	vpop (xrf1);
	(xrf1) =	vunique.msk.u32 vm1, v10  }
0x3e: {  	v18 =	vld [tilespmem:s11+$0xFFFFFFE0];
	vm8 =	vlt.s32 v15, v1;
	vm9 =	vge.s32 v15, v0;
	(xrf1) =	vunique.msk.u32 vm2, v8  }
0x3f: {  	v20 =	vld [tilespmem:s11+$0x0];
	v17 =	vsub.s32 v15, v0;
	v21 =	vsub.s32 v19, v0;
	v15 =	vcvt.s32.f32 v16;
	_, v16, vm1 =	vpop (xrf1);
	(xrf1) =	vunique.msk.u32 vm4, v7  }
0x40: {  	v21 =	vshll.u32 v21, $0xA;
	vm5 =	vge.s32 v19, v0;
	vm6 =	vlt.s32 v19, v1;
	v13 =	vld [tilespmem:s11+$0x10];
	_, v19, vm3 =	vpop (xrf1)  }
0x41: {  	s13 =	simm.s32 $0x40E0;
	s12 =	simm.s32 $0x8;
	v11 =	vld [tilespmem:s11+$0xFFFFFFF0];
	vm7 =	vge.s32 v12, v0;
	vm2 =	vmand vm9, vm8;
	v16 =	vcvt.s32.f32 v16;
	_, v22, vm4 =	vpop (xrf1)  }
.LBB2_4:
0x42: {  	v23 =	vld [tilespmem:s13+$0x10];
	s12 =	sadd.s32 $0x4, s12;
	v24 =	vsub.s32 v14, v0;
	vm8 =	vlt.s32 v12, v1;
	v19 =	vcvt.s32.f32 v19  }
0x43: {  	vm9 =	vge.s32 v14, v0;
	v22 =	vcvt.s32.f32 v22;
	v25 =	vld [tilespmem:s13+$0x0];
	p0 =	slt.u32 s12, $0x3FC;
	v24 =	vshll.u32 v24, $0xA  }
0x44: {  	vm10 =	vlt.s32 v14, v1;
	vm5 =	vmand vm5, vm6;
	vm7 =	vmand vm7, vm8;
	[tilespmem:v3+s9+$0x0] =	vst.idx.add.f32.msk vm0, v15;
	v3 =	vmovc v9  }
0x45: {  	vm0 =	vmand vm9, vm10;
	v9 =	vsub.s32 v12, v0;
	v12 =	vshll.u32 v17, $0xA;
	[tilespmem:v4+s9+$0x0] =	vst.idx.add.f32.msk vm1, v16;
	v4 =	vmovc v10  }
0x46: {  	v10 =	vadd.s32 v18, v24;
	v14 =	vshll.u32 v9, $0xA;
	v15 =	vadd.s32 v20, v21;
	[tilespmem:v6+s9+$0x0] =	vst.idx.add.f32.msk vm3, v19  }
0x47: {  	s11 =	sadd.s32 $0x40, s11;
	v9 =	vnsel vm0, $0x0, v10;
	v16 =	vadd.s32 v11, v14;
	v11 =	vadd.s32 v13, v12;
	[tilespmem:v5+s9+$0x0] =	vst.idx.add.f32.msk vm4, v22  }
0x48: {  	v10 =	vnsel vm5, $0x0, v15;
	v11 =	vnsel vm2, $0x0, v11;
	v5 =	vmovc v7;
	v7 =	vnsel vm7, $0x0, v16;
	v12 =	vld [tilespmem:s13+$0xFFFFFFF0];
	(xrf1) =	vunique.msk.u32 vm0, v9  }
.Ltmp1:
0x49: {  	v6 =	vmov v8;
	v8 =	vmov v11;
	v14 =	vld [tilespmem:s13+$0xFFFFFFE0];
	(xrf1) =	vunique.msk.u32 vm5, v10;
	(pc) =	sbr.rel @p0 .LBB2_4-.Ltmp1, $4  }
0x4a: {  	vm4 =	vlt.s32 v23, v1;
	vm5 =	vge.s32 v25, v0;
	v11 =	vld [tilespmem:s11+$0xFFFFFFF0];
	(xrf1) =	vunique.msk.u32 vm2, v8;
	_, v15, vm0 =	vpop (xrf1)  }
0x4b: {  	v17 =	vsub.s32 v23, v0;
	vm2 =	vge.s32 v23, v0;
	v13 =	vld [tilespmem:s11+$0x10];
	(xrf1) =	vunique.msk.u32 vm7, v7;
	v15 =	vcvt.s32.f32 v15;
	_, v16, vm1 =	vpop (xrf1)  }
0x4c: {  	vm6 =	vlt.s32 v25, v1;
	v21 =	vsub.s32 v25, v0;
	v18 =	vld [tilespmem:s11+$0xFFFFFFE0];
	v16 =	vcvt.s32.f32 v16;
	_, v19, vm3 =	vpop (xrf1)  }
0x4d: {  	v21 =	vshll.u32 v21, $0xA;
	s13 =	sadd.s32 $0x40, s13;
	vm2 =	vmand vm2, vm4;
	vm7 =	vge.s32 v12, v0;
	v20 =	vld [tilespmem:s11+$0x0];
	_, v22, vm4 =	vpop (xrf1)  }
0x4e: {  	_ = 	snop  }
0x4f: {  	v23 =	vsub.s32 v14, v0;
	vm8 =	vlt.s32 v12, v1;
	vm9 =	vge.s32 v14, v0  }
0x50: {  	vm10 =	vlt.s32 v14, v1;
	vm5 =	vmand vm5, vm6;
	v23 =	vshll.u32 v23, $0xA  }
0x51: {  	v54 =	vsub.s32 v12, v0;
	vm11 =	vmand vm9, vm10;
	v55 =	vadd.s32 v18, v23  }
0x52: {  	v17 =	vshll.u32 v17, $0xA;
	v56 =	vadd.s32 v20, v21;
	v14 =	vnsel vm11, $0x0, v55  }
0x53: {  	v12 =	vshll.u32 v54, $0xA;
	v13 =	vadd.s32 v13, v17;
	v57 =	vnsel vm5, $0x0, v56;
	(xrf1) =	vunique.msk.u32 vm11, v14  }
0x54: {  	vm12 =	vmand vm7, vm8;
	v11 =	vadd.s32 v11, v12;
	v58 =	vnsel vm2, $0x0, v13;
	(xrf1) =	vunique.msk.u32 vm5, v57  }
0x55: {  	v11 =	vnsel vm12, $0x0, v11;
	(xrf1) =	vunique.msk.u32 vm2, v58  }
0x56: {  	(xrf1) =	vunique.msk.u32 vm12, v11;
	_ =	sdelay $0x6  }
0x57: {  	_, v13, vm13 =	vpop (xrf1)  }
0x58: {  	_, v18, vm14 =	vpop (xrf1)  }
0x59: {  	v19 =	vcvt.s32.f32 v19;
	[tilespmem:v3+s9+$0x0] =	vst.idx.add.f32.msk vm0, v15;
	_, v3, vm0 =	vpop (xrf1)  }
0x5a: {  	v59 =	vcvt.s32.f32 v22;
	[tilespmem:v4+s9+$0x0] =	vst.idx.add.f32.msk vm1, v16;
	_, v4, vm1 =	vpop (xrf1)  }
0x5b: {  	[tilespmem:v6+s9+$0x0] =	vst.idx.add.f32.msk vm3, v19;
	v60 =	vcvt.s32.f32 v13;
	_, v61, vm15 =	vpop (xrf1)  }
0x5c: {  	[tilespmem:v5+s9+$0x0] =	vst.idx.add.f32.msk vm4, v59;
	v62 =	vcvt.s32.f32 v18;
	_, v15, vm4 =	vpop (xrf1)  }
0x5d: {  	v3 =	vcvt.s32.f32 v3;
	[tilespmem:v9+s9+$0x0] =	vst.idx.add.f32.msk vm13, v60;
	_, v6, vm2 =	vpop (xrf1)  }
0x5e: {  	v4 =	vcvt.s32.f32 v4;
	[tilespmem:v10+s9+$0x0] =	vst.idx.add.f32.msk vm14, v62;
	_, v5, vm5 =	vpop (xrf1)  }
0x5f: {  	[tilespmem:v8+s9+$0x0] =	vst.idx.add.f32.msk vm0, v3;
	v3 =	vcvt.s32.f32 v61  }
0x60: {  	[tilespmem:v7+s9+$0x0] =	vst.idx.add.f32.msk vm1, v4;
	v63 =	vcvt.s32.f32 v15  }
0x61: {  	v6 =	vcvt.s32.f32 v6;
	[tilespmem:v14+s9+$0x0] =	vst.idx.add.f32.msk vm15, v3  }
0x62: {  	s10 =	sadd.s32 $0x1, s10;
	v3 =	vcvt.s32.f32 v5;
	[tilespmem:v57+s9+$0x0] =	vst.idx.add.f32.msk vm4, v63  }
0x63: {  	p0 =	sne.s32 s10, s6;
	[tilespmem:v58+s9+$0x0] =	vst.idx.add.f32.msk vm2, v6  }
.Ltmp2:
0x64: {  	[tilespmem:v11+s9+$0x0] =	vst.idx.add.f32.msk vm5, v3;
	(pc) =	sbr.rel @p0 .LBB2_1-.Ltmp2, $4  }
0x65: {  	[hbm4b:s5+s2] =	stream.linear.scatter [tilespmem:s9], [sflag:$0x1], $0x8000, $0x38;
	[tilespmem:$0x10000] =	vst v63  }
0x66: {  	_ =	swait.ge [sflag:s7], $0x8000  }
0x67: {  	[sflag:s7] =	ssyncset.done $0x0  }
0x68: {  	[sflag:s7] =	ssyncadd.s32 $0xFFFF8000  }
0x69: {  	_ =	sfence.sel $0x180000  }
0x6a: {  	[bflag:$0x0] =	sbarrier.arrive $0xFFFF  }
0x6b: {  	p0 =	sne.s32 s3, $0x0;
	_ =	strace $0x90000047  }
0x6c: {  	s0 =	sadd.s32 @!p0 $0x100000, s0;
	[bflag:$0x2] =	sbarrier.arrive $0xFFFF  }
0x6d: {  	[sflag:s0] =	ssyncadd.tile.s32 @!p0 $0x1;
	_ =	shalt  }
.Lfunc_end2:
_tile_overlayer_lowered:
.L_overlay_start_2:
0x6e: {  	(tag) =	ssettag $0x2  }
0x6f: {  	s0 =	rddreg [dreg:$0x0];
	s2 =	stileid.u32  }
0x70: {  	s1 =	rddreg [dreg:$0x1];
	p0 =	sne.s32 s2, $0x0  }
0x71: {  	s3 =	rddreg [dreg:$0x2];
	[bflag:$0x3] =	sbarrier.arrive $0xFFFF;
	s2 =	simm.s32 @!p0 $0x1C01  }
0x72: {  	[timem:s3], [sflag:s2] =	dma.local @!p0 [hbm:s0], s1  }
0x73: {  	s0 =	simm.s32 @!p0 $0x1  }
0x74: {  	_ =	swait.ge @!p0 [sflag:s0], s1  }
0x75: {  	s1 =	ssub.s32 @!p0 $0x0, s1;
	[sflag:s0] =	ssyncset.done @!p0 $0x0  }
0x76: {  	[sflag:s0] =	ssyncadd.s32 @!p0 s1  }
0x77: {  	[bflag:$0x3] =	sbarrier.arrive $0xFFFF  }
0x78: {  	_ =	shalt  }

</sc_bundles>
